<compile_context>
chip_gen: v7x
topology: tpu7x:2x2x1
jax: 0.10.2.dev20260603
libtpu: 0.0.44.dev20260713+nightly
codegen_flags: <defaults>
</compile_context>

<pallas_src>
import functools

import jax
import jax.numpy as jnp
from jax import lax
from jax.experimental import pallas as pl
from jax.experimental.pallas import tpu as pltpu
from jax.experimental.pallas import tpu_sc as plsc

N_ROWS = 16384
N_FEAT = 2048
BLOCK_ROWS = 8


def kernel(x, indices):
    info = plsc.get_sparse_core_info()
    num_cores, num_subcores, lanes = (
        info.num_cores, info.num_subcores, info.num_lanes)
    num_workers = num_cores * num_subcores
    rows_per_worker = N_ROWS // num_workers
    num_blocks = rows_per_worker // BLOCK_ROWS
    mesh = plsc.VectorSubcoreMesh(core_axis_name="c", subcore_axis_name="s")

    @functools.partial(
        pl.kernel,
        mesh=mesh,
        compiler_params=pltpu.CompilerParams(needs_layout_passes=False),
        out_type=jax.ShapeDtypeStruct((N_ROWS, N_FEAT), jnp.float32),
        scratch_types=[
            pltpu.VMEM((N_FEAT,), jnp.int32),
            pltpu.VMEM((BLOCK_ROWS, N_FEAT), jnp.float32),
            pltpu.VMEM((BLOCK_ROWS, N_FEAT), jnp.float32),
            pltpu.VMEM((BLOCK_ROWS, N_FEAT), jnp.float32),
            pltpu.VMEM((BLOCK_ROWS, N_FEAT), jnp.float32),
            pltpu.VMEM((BLOCK_ROWS, N_FEAT), jnp.float32),
            pltpu.VMEM((BLOCK_ROWS, N_FEAT), jnp.float32),
            pltpu.SemaphoreType.DMA,
            pltpu.SemaphoreType.DMA,
            pltpu.SemaphoreType.DMA,
            pltpu.SemaphoreType.DMA,
            pltpu.SemaphoreType.DMA,
            pltpu.SemaphoreType.DMA,
        ],
    )
    def permute_rows(x_hbm, idx_hbm, out_hbm, idx_v,
                     in_v0, in_v1, in_v2, out_v0, out_v1, out_v2,
                     sem_in0, sem_in1, sem_in2, sem_out0, sem_out1,
                     sem_out2):
        in_bufs = (in_v0, in_v1, in_v2)
        out_bufs = (out_v0, out_v1, out_v2)
        in_sems = (sem_in0, sem_in1, sem_in2)
        out_sems = (sem_out0, sem_out1, sem_out2)

        wid = lax.axis_index("s") * num_cores + lax.axis_index("c")
        base = wid * rows_per_worker

        def in_block(b):
            return x_hbm.at[pl.ds(base + b * BLOCK_ROWS, BLOCK_ROWS)]

        def out_block(b):
            return out_hbm.at[pl.ds(base + b * BLOCK_ROWS, BLOCK_ROWS)]

        for j in range(3):
            pltpu.async_copy(in_block(j), in_bufs[j], in_sems[j])
        pltpu.sync_copy(idx_hbm, idx_v)

        num_cols = N_FEAT // lanes

        def permute_block(src, dst):
            def gather8(idxv):
                return [
                    plsc.load_gather(
                        src, [jnp.full((lanes,), r, jnp.int32), idxv])
                    for r in range(BLOCK_ROWS)
                ]

            def store8(col0, vals):
                for r in range(BLOCK_ROWS):
                    dst[r, pl.ds(col0, lanes)] = vals[r]

            @plsc.parallel_loop(0, num_cols, unroll=4)
            def _(jb):
                col0 = jb * lanes
                store8(col0, gather8(idx_v[pl.ds(col0, lanes)]))

        def do_block(b, ring):
            pltpu.make_async_copy(in_block(b), in_bufs[ring],
                                  in_sems[ring]).wait()
            @pl.when(b >= 3)
            def _():
                pltpu.make_async_copy(out_bufs[ring], out_block(b),
                                      out_sems[ring]).wait()
            permute_block(in_bufs[ring], out_bufs[ring])
            pltpu.async_copy(out_bufs[ring], out_block(b), out_sems[ring])

            @pl.when(b + 3 < num_blocks)
            def _():
                pltpu.async_copy(in_block(b + 3), in_bufs[ring],
                                 in_sems[ring])

        def group_body(g, carry):
            for j in range(3):
                do_block(g * 3 + j, j)
            return carry

        lax.fori_loop(0, (num_blocks - 1) // 3, group_body, 0)
        do_block(num_blocks - 1, 0)
        for j in range(3):
            pltpu.make_async_copy(out_bufs[j], out_block(0), out_sems[j]).wait()

    return permute_rows(x, indices)

# --- scband reference (transcript-rebuilt; emitter-appended) ---
"""Pipeline reference for scband-permutation-10840497455722 (READ-ONLY COPY).

The authoritative reference and input builder live on the scoring server;
editing this copy changes nothing except your own understanding.
"""

import jax, jax.numpy as jnp
import numpy as np

N_FEATURES = 2048

def setup_inputs(seed: int = 0) -> dict:
    key = jax.random.key(seed)
    k_x, k_perm = jax.random.split(key)
    x = jax.random.normal(k_x, (16384, N_FEATURES), dtype=jnp.float32)
    # Learned (buffer) permutation, materialized like torch.randperm in __init__
    indices = jax.random.permutation(k_perm, N_FEATURES).astype(jnp.int32)
    return {"x": x, "indices": indices}

def reference(x, indices):
    # Faithful translation of Permutation.forward: x[:, self.indices]
    return jnp.take(x, indices, axis=1)

if __name__ == "__main__":
    import jax
    _d = setup_inputs()
    print(jax.jit(kernel)(*tuple(_d.values())))

</pallas_src>

<mosaic_0001>
#map = affine_map<(d0, d1) -> (0, 0)>
#map1 = affine_map<(d0, d1) -> (0)>
module attributes {stable_mosaic.version = 14 : i64} {
  func.func @permute_rows(%arg0: i32, %arg1: i32, %arg2: memref<16384x2048xf32, #tpu.memory_space<hbm>>, %arg3: memref<2048xi32, #tpu.memory_space<hbm>>, %arg4: memref<16384x2048xf32, #tpu.memory_space<hbm>>, %arg5: memref<2048xi32, #tpu.memory_space<vmem>>, %arg6: memref<8x2048xf32, #tpu.memory_space<vmem>>, %arg7: memref<8x2048xf32, #tpu.memory_space<vmem>>, %arg8: memref<8x2048xf32, #tpu.memory_space<vmem>>, %arg9: memref<8x2048xf32, #tpu.memory_space<vmem>>, %arg10: memref<8x2048xf32, #tpu.memory_space<vmem>>, %arg11: memref<8x2048xf32, #tpu.memory_space<vmem>>, %arg12: memref<!tpu.dma_semaphore, #tpu.memory_space<semaphore_mem>>, %arg13: memref<!tpu.dma_semaphore, #tpu.memory_space<semaphore_mem>>, %arg14: memref<!tpu.dma_semaphore, #tpu.memory_space<semaphore_mem>>, %arg15: memref<!tpu.dma_semaphore, #tpu.memory_space<semaphore_mem>>, %arg16: memref<!tpu.dma_semaphore, #tpu.memory_space<semaphore_mem>>, %arg17: memref<!tpu.dma_semaphore, #tpu.memory_space<semaphore_mem>>) attributes {dimension_semantics = [#tpu.dimension_semantics<core_parallel>, #tpu.dimension_semantics<subcore_parallel>], iteration_bounds = array<i64: 2, 16>, scalar_prefetch = 0 : i64, scratch_operands = 13 : i64, tpu.core_type = #tpu.core_type<sc_vector_subcore>, window_params = [{transform_indices = #map}, {transform_indices = #map1}, {transform_indices = #map}]} {
    %mul3A = arith.constant 2 : i32
    %mul3A_0 = arith.muli %arg1, %mul3A : i32
    %add3A = arith.addi %mul3A_0, %arg0 : i32
    %mul3A_1 = arith.constant 512 : i32
    %mul3A_2 = arith.muli %add3A, %mul3A_1 : i32
    %add3A_3 = arith.constant 0 : i32
    %add3A_4 = arith.addi %mul3A_2, %add3A_3 : i32
    %dma_start3A = arith.constant 0 : i32
    %dma_start3A_5 = tpu.memref_slice %arg2[%add3A_4, %dma_start3A] : memref<16384x2048xf32, #tpu.memory_space<hbm>> -> memref<8x2048xf32, #tpu.memory_space<hbm>>
    %dma_start3A_6 = arith.constant 0 : i32
    %dma_start3A_7 = tpu.memref_slice %arg2[%add3A_4, %dma_start3A_6] : memref<16384x2048xf32, #tpu.memory_space<hbm>> -> memref<8x2048xf32, #tpu.memory_space<hbm>>
    tpu.enqueue_dma source(%dma_start3A_7 : memref<8x2048xf32, #tpu.memory_space<hbm>>) target(%arg6 : memref<8x2048xf32, #tpu.memory_space<vmem>>) target_semaphore(%arg12 : memref<!tpu.dma_semaphore, #tpu.memory_space<semaphore_mem>>)
    %add3A_8 = arith.constant 8 : i32
    %add3A_9 = arith.addi %mul3A_2, %add3A_8 : i32
    %dma_start3A_10 = arith.constant 0 : i32
    %dma_start3A_11 = tpu.memref_slice %arg2[%add3A_9, %dma_start3A_10] : memref<16384x2048xf32, #tpu.memory_space<hbm>> -> memref<8x2048xf32, #tpu.memory_space<hbm>>
    %dma_start3A_12 = arith.constant 0 : i32
    %dma_start3A_13 = tpu.memref_slice %arg2[%add3A_9, %dma_start3A_12] : memref<16384x2048xf32, #tpu.memory_space<hbm>> -> memref<8x2048xf32, #tpu.memory_space<hbm>>
    tpu.enqueue_dma source(%dma_start3A_13 : memref<8x2048xf32, #tpu.memory_space<hbm>>) target(%arg7 : memref<8x2048xf32, #tpu.memory_space<vmem>>) target_semaphore(%arg13 : memref<!tpu.dma_semaphore, #tpu.memory_space<semaphore_mem>>)
    %add3A_14 = arith.constant 16 : i32
    %add3A_15 = arith.addi %mul3A_2, %add3A_14 : i32
    %dma_start3A_16 = arith.constant 0 : i32
    %dma_start3A_17 = tpu.memref_slice %arg2[%add3A_15, %dma_start3A_16] : memref<16384x2048xf32, #tpu.memory_space<hbm>> -> memref<8x2048xf32, #tpu.memory_space<hbm>>
    %dma_start3A_18 = arith.constant 0 : i32
    %dma_start3A_19 = tpu.memref_slice %arg2[%add3A_15, %dma_start3A_18] : memref<16384x2048xf32, #tpu.memory_space<hbm>> -> memref<8x2048xf32, #tpu.memory_space<hbm>>
    tpu.enqueue_dma source(%dma_start3A_19 : memref<8x2048xf32, #tpu.memory_space<hbm>>) target(%arg8 : memref<8x2048xf32, #tpu.memory_space<vmem>>) target_semaphore(%arg14 : memref<!tpu.dma_semaphore, #tpu.memory_space<semaphore_mem>>)
    "tpu.region"() ({
      %run_scoped3A = tpu.sem_alloc : memref<!tpu.dma_semaphore, #tpu.memory_space<semaphore_mem>>
      tpu.enqueue_dma source(%arg3 : memref<2048xi32, #tpu.memory_space<hbm>>) target(%arg5 : memref<2048xi32, #tpu.memory_space<vmem>>) target_semaphore(%run_scoped3A : memref<!tpu.dma_semaphore, #tpu.memory_space<semaphore_mem>>)
      tpu.wait_dma2 semaphore(%run_scoped3A : memref<!tpu.dma_semaphore, #tpu.memory_space<semaphore_mem>>) src(%arg3 : memref<2048xi32, #tpu.memory_space<hbm>>) dst(%arg5 : memref<2048xi32, #tpu.memory_space<vmem>>)
      tpu.yield
    }) : () -> ()
    %scan3A = arith.constant 0 : i32
    %scan3A_20 = arith.constant 0 : i32
    %scan3A_21 = arith.constant 21 : i32
    %scan3A_22 = arith.addi %scan3A_20, %scan3A_21 : i32
    %scan3A_23 = arith.constant 1 : i32
    scf.for %scan3A_62 = %scan3A_20 to %scan3A_22 step %scan3A_23  : i32 {
      %mul3A_63 = arith.constant 3 : i32
      %mul3A_64 = arith.muli %scan3A_62, %mul3A_63 : i32
      %add3A_65 = arith.constant 0 : i32
      %add3A_66 = arith.addi %mul3A_64, %add3A_65 : i32
      %mul3A_67 = arith.constant 8 : i32
      %mul3A_68 = arith.muli %add3A_66, %mul3A_67 : i32
      %add3A_69 = arith.addi %mul3A_2, %mul3A_68 : i32
      %dma_wait3A_70 = arith.constant 0 : i32
      %dma_wait3A_71 = tpu.memref_slice %arg2[%add3A_69, %dma_wait3A_70] : memref<16384x2048xf32, #tpu.memory_space<hbm>> -> memref<8x2048xf32, #tpu.memory_space<hbm>>
      %dma_wait3A_72 = arith.constant 0 : i32
      %dma_wait3A_73 = tpu.memref_slice %arg2[%add3A_69, %dma_wait3A_72] : memref<16384x2048xf32, #tpu.memory_space<hbm>> -> memref<8x2048xf32, #tpu.memory_space<hbm>>
      tpu.wait_dma2 semaphore(%arg12 : memref<!tpu.dma_semaphore, #tpu.memory_space<semaphore_mem>>) src(%dma_wait3A_73 : memref<8x2048xf32, #tpu.memory_space<hbm>>) dst(%arg6 : memref<8x2048xf32, #tpu.memory_space<vmem>>)
      %ge3A = arith.constant 3 : i32
      %ge3A_74 = arith.cmpi sge, %add3A_66, %ge3A : i32
      %convert_element_type3A = arith.extui %ge3A_74 : i1 to i32
      %cond3A = arith.constant 0 : i32
      %cond3A_75 = arith.cmpi ne, %convert_element_type3A, %cond3A : i32
      scf.if %cond3A_75 {
        %mul3A_158 = arith.constant 8 : i32
        %mul3A_159 = arith.muli %add3A_66, %mul3A_158 : i32
        %add3A_160 = arith.addi %mul3A_2, %mul3A_159 : i32
        %dma_wait3A_161 = arith.constant 0 : i32
        %dma_wait3A_162 = tpu.memref_slice %arg4[%add3A_160, %dma_wait3A_161] : memref<16384x2048xf32, #tpu.memory_space<hbm>> -> memref<8x2048xf32, #tpu.memory_space<hbm>>
        %dma_wait3A_163 = arith.constant 0 : i32
        %dma_wait3A_164 = tpu.memref_slice %arg4[%add3A_160, %dma_wait3A_163] : memref<16384x2048xf32, #tpu.memory_space<hbm>> -> memref<8x2048xf32, #tpu.memory_space<hbm>>
        tpu.wait_dma2 semaphore(%arg15 : memref<!tpu.dma_semaphore, #tpu.memory_space<semaphore_mem>>) src(%arg9 : memref<8x2048xf32, #tpu.memory_space<vmem>>) dst(%dma_wait3A_164 : memref<8x2048xf32, #tpu.memory_space<hbm>>)
      } else {
      }
      %parallel_loop3A_76 = arith.constant 0 : i32
      %parallel_loop3A_77 = arith.constant 128 : i32
      %parallel_loop3A_78 = arith.constant 1 : i32
      scf.for %parallel_loop3A_158 = %parallel_loop3A_76 to %parallel_loop3A_77 step %parallel_loop3A_78  : i32 {
        %parallel_loop3A_159 = arith.constant 16 : i32
        %parallel_loop3A_160 = arith.muli %parallel_loop3A_158, %parallel_loop3A_159 : i32
        %parallel_loop3A_161 = arith.index_cast %parallel_loop3A_160 : i32 to index
        %parallel_loop3A_162 = tpu.vector_load %arg5[%parallel_loop3A_161] {strides = array<i32>} : memref<2048xi32, #tpu.memory_space<vmem>>, vector<16xi32>,
        %parallel_loop3A_163 = arith.constant 0 : i32
        %parallel_loop3A_164 = vector.broadcast %parallel_loop3A_163 : i32 to vector<16xi32>
        %parallel_loop3A_165 = tpu.vector_load_idx %arg6[%parallel_loop3A_164, %parallel_loop3A_162] : memref<8x2048xf32, #tpu.memory_space<vmem>>[vector<16xi32>, vector<16xi32>], vector<16xf32>,
        %parallel_loop3A_166 = arith.constant 1 : i32
        %parallel_loop3A_167 = vector.broadcast %parallel_loop3A_166 : i32 to vector<16xi32>
        %parallel_loop3A_168 = tpu.vector_load_idx %arg6[%parallel_loop3A_167, %parallel_loop3A_162] : memref<8x2048xf32, #tpu.memory_space<vmem>>[vector<16xi32>, vector<16xi32>], vector<16xf32>,
        %parallel_loop3A_169 = arith.constant 2 : i32
        %parallel_loop3A_170 = vector.broadcast %parallel_loop3A_169 : i32 to vector<16xi32>
        %parallel_loop3A_171 = tpu.vector_load_idx %arg6[%parallel_loop3A_170, %parallel_loop3A_162] : memref<8x2048xf32, #tpu.memory_space<vmem>>[vector<16xi32>, vector<16xi32>], vector<16xf32>,
        %parallel_loop3A_172 = arith.constant 3 : i32
        %parallel_loop3A_173 = vector.broadcast %parallel_loop3A_172 : i32 to vector<16xi32>
        %parallel_loop3A_174 = tpu.vector_load_idx %arg6[%parallel_loop3A_173, %parallel_loop3A_162] : memref<8x2048xf32, #tpu.memory_space<vmem>>[vector<16xi32>, vector<16xi32>], vector<16xf32>,
        %parallel_loop3A_175 = arith.constant 4 : i32
        %parallel_loop3A_176 = vector.broadcast %parallel_loop3A_175 : i32 to vector<16xi32>
        %parallel_loop3A_177 = tpu.vector_load_idx %arg6[%parallel_loop3A_176, %parallel_loop3A_162] : memref<8x2048xf32, #tpu.memory_space<vmem>>[vector<16xi32>, vector<16xi32>], vector<16xf32>,
        %parallel_loop3A_178 = arith.constant 5 : i32
        %parallel_loop3A_179 = vector.broadcast %parallel_loop3A_178 : i32 to vector<16xi32>
        %parallel_loop3A_180 = tpu.vector_load_idx %arg6[%parallel_loop3A_179, %parallel_loop3A_162] : memref<8x2048xf32, #tpu.memory_space<vmem>>[vector<16xi32>, vector<16xi32>], vector<16xf32>,
        %parallel_loop3A_181 = arith.constant 6 : i32
        %parallel_loop3A_182 = vector.broadcast %parallel_loop3A_181 : i32 to vector<16xi32>
        %parallel_loop3A_183 = tpu.vector_load_idx %arg6[%parallel_loop3A_182, %parallel_loop3A_162] : memref<8x2048xf32, #tpu.memory_space<vmem>>[vector<16xi32>, vector<16xi32>], vector<16xf32>,
        %parallel_loop3A_184 = arith.constant 7 : i32
        %parallel_loop3A_185 = vector.broadcast %parallel_loop3A_184 : i32 to vector<16xi32>
        %parallel_loop3A_186 = tpu.vector_load_idx %arg6[%parallel_loop3A_185, %parallel_loop3A_162] : memref<8x2048xf32, #tpu.memory_space<vmem>>[vector<16xi32>, vector<16xi32>], vector<16xf32>,
        %parallel_loop3A_187 = arith.constant 0 : i32
        %parallel_loop3A_188 = arith.index_cast %parallel_loop3A_187 : i32 to index
        %parallel_loop3A_189 = arith.index_cast %parallel_loop3A_160 : i32 to index
        %parallel_loop3A_190 = tpu.vector_load %arg9[%parallel_loop3A_188, %parallel_loop3A_189] {strides = array<i32>} : memref<8x2048xf32, #tpu.memory_space<vmem>>, vector<16xf32>,
        tpu.vector_store %arg9[%parallel_loop3A_188, %parallel_loop3A_189], %parallel_loop3A_165 {strides = array<i32>} : memref<8x2048xf32, #tpu.memory_space<vmem>>, vector<16xf32>,
        %parallel_loop3A_191 = arith.constant 1 : i32
        %parallel_loop3A_192 = arith.index_cast %parallel_loop3A_191 : i32 to index
        %parallel_loop3A_193 = arith.index_cast %parallel_loop3A_160 : i32 to index
        %parallel_loop3A_194 = tpu.vector_load %arg9[%parallel_loop3A_192, %parallel_loop3A_193] {strides = array<i32>} : memref<8x2048xf32, #tpu.memory_space<vmem>>, vector<16xf32>,
        tpu.vector_store %arg9[%parallel_loop3A_192, %parallel_loop3A_193], %parallel_loop3A_168 {strides = array<i32>} : memref<8x2048xf32, #tpu.memory_space<vmem>>, vector<16xf32>,
        %parallel_loop3A_195 = arith.constant 2 : i32
        %parallel_loop3A_196 = arith.index_cast %parallel_loop3A_195 : i32 to index
        %parallel_loop3A_197 = arith.index_cast %parallel_loop3A_160 : i32 to index
        %parallel_loop3A_198 = tpu.vector_load %arg9[%parallel_loop3A_196, %parallel_loop3A_197] {strides = array<i32>} : memref<8x2048xf32, #tpu.memory_space<vmem>>, vector<16xf32>,
        tpu.vector_store %arg9[%parallel_loop3A_196, %parallel_loop3A_197], %parallel_loop3A_171 {strides = array<i32>} : memref<8x2048xf32, #tpu.memory_space<vmem>>, vector<16xf32>,
        %parallel_loop3A_199 = arith.constant 3 : i32
        %parallel_loop3A_200 = arith.index_cast %parallel_loop3A_199 : i32 to index
        %parallel_loop3A_201 = arith.index_cast %parallel_loop3A_160 : i32 to index
        %parallel_loop3A_202 = tpu.vector_load %arg9[%parallel_loop3A_200, %parallel_loop3A_201] {strides = array<i32>} : memref<8x2048xf32, #tpu.memory_space<vmem>>, vector<16xf32>,
        tpu.vector_store %arg9[%parallel_loop3A_200, %parallel_loop3A_201], %parallel_loop3A_174 {strides = array<i32>} : memref<8x2048xf32, #tpu.memory_space<vmem>>, vector<16xf32>,
        %parallel_loop3A_203 = arith.constant 4 : i32
        %parallel_loop3A_204 = arith.index_cast %parallel_loop3A_203 : i32 to index
        %parallel_loop3A_205 = arith.index_cast %parallel_loop3A_160 : i32 to index
        %parallel_loop3A_206 = tpu.vector_load %arg9[%parallel_loop3A_204, %parallel_loop3A_205] {strides = array<i32>} : memref<8x2048xf32, #tpu.memory_space<vmem>>, vector<16xf32>,
        tpu.vector_store %arg9[%parallel_loop3A_204, %parallel_loop3A_205], %parallel_loop3A_177 {strides = array<i32>} : memref<8x2048xf32, #tpu.memory_space<vmem>>, vector<16xf32>,
        %parallel_loop3A_207 = arith.constant 5 : i32
        %parallel_loop3A_208 = arith.index_cast %parallel_loop3A_207 : i32 to index
        %parallel_loop3A_209 = arith.index_cast %parallel_loop3A_160 : i32 to index
        %parallel_loop3A_210 = tpu.vector_load %arg9[%parallel_loop3A_208, %parallel_loop3A_209] {strides = array<i32>} : memref<8x2048xf32, #tpu.memory_space<vmem>>, vector<16xf32>,
        tpu.vector_store %arg9[%parallel_loop3A_208, %parallel_loop3A_209], %parallel_loop3A_180 {strides = array<i32>} : memref<8x2048xf32, #tpu.memory_space<vmem>>, vector<16xf32>,
        %parallel_loop3A_211 = arith.constant 6 : i32
        %parallel_loop3A_212 = arith.index_cast %parallel_loop3A_211 : i32 to index
        %parallel_loop3A_213 = arith.index_cast %parallel_loop3A_160 : i32 to index
        %parallel_loop3A_214 = tpu.vector_load %arg9[%parallel_loop3A_212, %parallel_loop3A_213] {strides = array<i32>} : memref<8x2048xf32, #tpu.memory_space<vmem>>, vector<16xf32>,
        tpu.vector_store %arg9[%parallel_loop3A_212, %parallel_loop3A_213], %parallel_loop3A_183 {strides = array<i32>} : memref<8x2048xf32, #tpu.memory_space<vmem>>, vector<16xf32>,
        %parallel_loop3A_215 = arith.constant 7 : i32
        %parallel_loop3A_216 = arith.index_cast %parallel_loop3A_215 : i32 to index
        %parallel_loop3A_217 = arith.index_cast %parallel_loop3A_160 : i32 to index
        %parallel_loop3A_218 = tpu.vector_load %arg9[%parallel_loop3A_216, %parallel_loop3A_217] {strides = array<i32>} : memref<8x2048xf32, #tpu.memory_space<vmem>>, vector<16xf32>,
        tpu.vector_store %arg9[%parallel_loop3A_216, %parallel_loop3A_217], %parallel_loop3A_186 {strides = array<i32>} : memref<8x2048xf32, #tpu.memory_space<vmem>>, vector<16xf32>,
      } {sc.loop_unroll_factor = 4 : i64, sc.parallel_access}
      %mul3A_79 = arith.constant 8 : i32
      %mul3A_80 = arith.muli %add3A_66, %mul3A_79 : i32
      %add3A_81 = arith.addi %mul3A_2, %mul3A_80 : i32
      %dma_start3A_82 = arith.constant 0 : i32
      %dma_start3A_83 = tpu.memref_slice %arg4[%add3A_81, %dma_start3A_82] : memref<16384x2048xf32, #tpu.memory_space<hbm>> -> memref<8x2048xf32, #tpu.memory_space<hbm>>
      %dma_start3A_84 = arith.constant 0 : i32
      %dma_start3A_85 = tpu.memref_slice %arg4[%add3A_81, %dma_start3A_84] : memref<16384x2048xf32, #tpu.memory_space<hbm>> -> memref<8x2048xf32, #tpu.memory_space<hbm>>
      tpu.enqueue_dma source(%arg9 : memref<8x2048xf32, #tpu.memory_space<vmem>>) target(%dma_start3A_85 : memref<8x2048xf32, #tpu.memory_space<hbm>>) target_semaphore(%arg15 : memref<!tpu.dma_semaphore, #tpu.memory_space<semaphore_mem>>)
      %add3A_86 = arith.constant 3 : i32
      %add3A_87 = arith.addi %add3A_66, %add3A_86 : i32
      %lt3A = arith.constant 64 : i32
      %lt3A_88 = arith.cmpi slt, %add3A_87, %lt3A : i32
      %convert_element_type3A_89 = arith.extui %lt3A_88 : i1 to i32
      %cond3A_90 = arith.constant 0 : i32
      %cond3A_91 = arith.cmpi ne, %convert_element_type3A_89, %cond3A_90 : i32
      scf.if %cond3A_91 {
        %add3A_158 = arith.constant 3 : i32
        %add3A_159 = arith.addi %add3A_66, %add3A_158 : i32
        %mul3A_160 = arith.constant 8 : i32
        %mul3A_161 = arith.muli %add3A_159, %mul3A_160 : i32
        %add3A_162 = arith.addi %mul3A_2, %mul3A_161 : i32
        %dma_start3A_163 = arith.constant 0 : i32
        %dma_start3A_164 = tpu.memref_slice %arg2[%add3A_162, %dma_start3A_163] : memref<16384x2048xf32, #tpu.memory_space<hbm>> -> memref<8x2048xf32, #tpu.memory_space<hbm>>
        %dma_start3A_165 = arith.constant 0 : i32
        %dma_start3A_166 = tpu.memref_slice %arg2[%add3A_162, %dma_start3A_165] : memref<16384x2048xf32, #tpu.memory_space<hbm>> -> memref<8x2048xf32, #tpu.memory_space<hbm>>
        tpu.enqueue_dma source(%dma_start3A_166 : memref<8x2048xf32, #tpu.memory_space<hbm>>) target(%arg6 : memref<8x2048xf32, #tpu.memory_space<vmem>>) target_semaphore(%arg12 : memref<!tpu.dma_semaphore, #tpu.memory_space<semaphore_mem>>)
      } else {
      }
      %mul3A_92 = arith.constant 3 : i32
      %mul3A_93 = arith.muli %scan3A_62, %mul3A_92 : i32
      %add3A_94 = arith.constant 1 : i32
      %add3A_95 = arith.addi %mul3A_93, %add3A_94 : i32
      %mul3A_96 = arith.constant 8 : i32
      %mul3A_97 = arith.muli %add3A_95, %mul3A_96 : i32
      %add3A_98 = arith.addi %mul3A_2, %mul3A_97 : i32
      %dma_wait3A_99 = arith.constant 0 : i32
      %dma_wait3A_100 = tpu.memref_slice %arg2[%add3A_98, %dma_wait3A_99] : memref<16384x2048xf32, #tpu.memory_space<hbm>> -> memref<8x2048xf32, #tpu.memory_space<hbm>>
      %dma_wait3A_101 = arith.constant 0 : i32
      %dma_wait3A_102 = tpu.memref_slice %arg2[%add3A_98, %dma_wait3A_101] : memref<16384x2048xf32, #tpu.memory_space<hbm>> -> memref<8x2048xf32, #tpu.memory_space<hbm>>
      tpu.wait_dma2 semaphore(%arg13 : memref<!tpu.dma_semaphore, #tpu.memory_space<semaphore_mem>>) src(%dma_wait3A_102 : memref<8x2048xf32, #tpu.memory_space<hbm>>) dst(%arg7 : memref<8x2048xf32, #tpu.memory_space<vmem>>)
      %ge3A_103 = arith.constant 3 : i32
      %ge3A_104 = arith.cmpi sge, %add3A_95, %ge3A_103 : i32
      %convert_element_type3A_105 = arith.extui %ge3A_104 : i1 to i32
      %cond3A_106 = arith.constant 0 : i32
      %cond3A_107 = arith.cmpi ne, %convert_element_type3A_105, %cond3A_106 : i32
      scf.if %cond3A_107 {
        %mul3A_158 = arith.constant 8 : i32
        %mul3A_159 = arith.muli %add3A_95, %mul3A_158 : i32
        %add3A_160 = arith.addi %mul3A_2, %mul3A_159 : i32
        %dma_wait3A_161 = arith.constant 0 : i32
        %dma_wait3A_162 = tpu.memref_slice %arg4[%add3A_160, %dma_wait3A_161] : memref<16384x2048xf32, #tpu.memory_space<hbm>> -> memref<8x2048xf32, #tpu.memory_space<hbm>>
        %dma_wait3A_163 = arith.constant 0 : i32
        %dma_wait3A_164 = tpu.memref_slice %arg4[%add3A_160, %dma_wait3A_163] : memref<16384x2048xf32, #tpu.memory_space<hbm>> -> memref<8x2048xf32, #tpu.memory_space<hbm>>
        tpu.wait_dma2 semaphore(%arg16 : memref<!tpu.dma_semaphore, #tpu.memory_space<semaphore_mem>>) src(%arg10 : memref<8x2048xf32, #tpu.memory_space<vmem>>) dst(%dma_wait3A_164 : memref<8x2048xf32, #tpu.memory_space<hbm>>)
      } else {
      }
      %parallel_loop3A_108 = arith.constant 0 : i32
      %parallel_loop3A_109 = arith.constant 128 : i32
      %parallel_loop3A_110 = arith.constant 1 : i32
      scf.for %parallel_loop3A_158 = %parallel_loop3A_108 to %parallel_loop3A_109 step %parallel_loop3A_110  : i32 {
        %parallel_loop3A_159 = arith.constant 16 : i32
        %parallel_loop3A_160 = arith.muli %parallel_loop3A_158, %parallel_loop3A_159 : i32
        %parallel_loop3A_161 = arith.index_cast %parallel_loop3A_160 : i32 to index
        %parallel_loop3A_162 = tpu.vector_load %arg5[%parallel_loop3A_161] {strides = array<i32>} : memref<2048xi32, #tpu.memory_space<vmem>>, vector<16xi32>,
        %parallel_loop3A_163 = arith.constant 0 : i32
        %parallel_loop3A_164 = vector.broadcast %parallel_loop3A_163 : i32 to vector<16xi32>
        %parallel_loop3A_165 = tpu.vector_load_idx %arg7[%parallel_loop3A_164, %parallel_loop3A_162] : memref<8x2048xf32, #tpu.memory_space<vmem>>[vector<16xi32>, vector<16xi32>], vector<16xf32>,
        %parallel_loop3A_166 = arith.constant 1 : i32
        %parallel_loop3A_167 = vector.broadcast %parallel_loop3A_166 : i32 to vector<16xi32>
        %parallel_loop3A_168 = tpu.vector_load_idx %arg7[%parallel_loop3A_167, %parallel_loop3A_162] : memref<8x2048xf32, #tpu.memory_space<vmem>>[vector<16xi32>, vector<16xi32>], vector<16xf32>,
        %parallel_loop3A_169 = arith.constant 2 : i32
        %parallel_loop3A_170 = vector.broadcast %parallel_loop3A_169 : i32 to vector<16xi32>
        %parallel_loop3A_171 = tpu.vector_load_idx %arg7[%parallel_loop3A_170, %parallel_loop3A_162] : memref<8x2048xf32, #tpu.memory_space<vmem>>[vector<16xi32>, vector<16xi32>], vector<16xf32>,
        %parallel_loop3A_172 = arith.constant 3 : i32
        %parallel_loop3A_173 = vector.broadcast %parallel_loop3A_172 : i32 to vector<16xi32>
        %parallel_loop3A_174 = tpu.vector_load_idx %arg7[%parallel_loop3A_173, %parallel_loop3A_162] : memref<8x2048xf32, #tpu.memory_space<vmem>>[vector<16xi32>, vector<16xi32>], vector<16xf32>,
        %parallel_loop3A_175 = arith.constant 4 : i32
        %parallel_loop3A_176 = vector.broadcast %parallel_loop3A_175 : i32 to vector<16xi32>
        %parallel_loop3A_177 = tpu.vector_load_idx %arg7[%parallel_loop3A_176, %parallel_loop3A_162] : memref<8x2048xf32, #tpu.memory_space<vmem>>[vector<16xi32>, vector<16xi32>], vector<16xf32>,
        %parallel_loop3A_178 = arith.constant 5 : i32
        %parallel_loop3A_179 = vector.broadcast %parallel_loop3A_178 : i32 to vector<16xi32>
        %parallel_loop3A_180 = tpu.vector_load_idx %arg7[%parallel_loop3A_179, %parallel_loop3A_162] : memref<8x2048xf32, #tpu.memory_space<vmem>>[vector<16xi32>, vector<16xi32>], vector<16xf32>,
        %parallel_loop3A_181 = arith.constant 6 : i32
        %parallel_loop3A_182 = vector.broadcast %parallel_loop3A_181 : i32 to vector<16xi32>
        %parallel_loop3A_183 = tpu.vector_load_idx %arg7[%parallel_loop3A_182, %parallel_loop3A_162] : memref<8x2048xf32, #tpu.memory_space<vmem>>[vector<16xi32>, vector<16xi32>], vector<16xf32>,
        %parallel_loop3A_184 = arith.constant 7 : i32
        %parallel_loop3A_185 = vector.broadcast %parallel_loop3A_184 : i32 to vector<16xi32>
        %parallel_loop3A_186 = tpu.vector_load_idx %arg7[%parallel_loop3A_185, %parallel_loop3A_162] : memref<8x2048xf32, #tpu.memory_space<vmem>>[vector<16xi32>, vector<16xi32>], vector<16xf32>,
        %parallel_loop3A_187 = arith.constant 0 : i32
        %parallel_loop3A_188 = arith.index_cast %parallel_loop3A_187 : i32 to index
        %parallel_loop3A_189 = arith.index_cast %parallel_loop3A_160 : i32 to index
        %parallel_loop3A_190 = tpu.vector_load %arg10[%parallel_loop3A_188, %parallel_loop3A_189] {strides = array<i32>} : memref<8x2048xf32, #tpu.memory_space<vmem>>, vector<16xf32>,
        tpu.vector_store %arg10[%parallel_loop3A_188, %parallel_loop3A_189], %parallel_loop3A_165 {strides = array<i32>} : memref<8x2048xf32, #tpu.memory_space<vmem>>, vector<16xf32>,
        %parallel_loop3A_191 = arith.constant 1 : i32
        %parallel_loop3A_192 = arith.index_cast %parallel_loop3A_191 : i32 to index
        %parallel_loop3A_193 = arith.index_cast %parallel_loop3A_160 : i32 to index
        %parallel_loop3A_194 = tpu.vector_load %arg10[%parallel_loop3A_192, %parallel_loop3A_193] {strides = array<i32>} : memref<8x2048xf32, #tpu.memory_space<vmem>>, vector<16xf32>,
        tpu.vector_store %arg10[%parallel_loop3A_192, %parallel_loop3A_193], %parallel_loop3A_168 {strides = array<i32>} : memref<8x2048xf32, #tpu.memory_space<vmem>>, vector<16xf32>,
        %parallel_loop3A_195 = arith.constant 2 : i32
        %parallel_loop3A_196 = arith.index_cast %parallel_loop3A_195 : i32 to index
        %parallel_loop3A_197 = arith.index_cast %parallel_loop3A_160 : i32 to index
        %parallel_loop3A_198 = tpu.vector_load %arg10[%parallel_loop3A_196, %parallel_loop3A_197] {strides = array<i32>} : memref<8x2048xf32, #tpu.memory_space<vmem>>, vector<16xf32>,
        tpu.vector_store %arg10[%parallel_loop3A_196, %parallel_loop3A_197], %parallel_loop3A_171 {strides = array<i32>} : memref<8x2048xf32, #tpu.memory_space<vmem>>, vector<16xf32>,
        %parallel_loop3A_199 = arith.constant 3 : i32
        %parallel_loop3A_200 = arith.index_cast %parallel_loop3A_199 : i32 to index
        %parallel_loop3A_201 = arith.index_cast %parallel_loop3A_160 : i32 to index
        %parallel_loop3A_202 = tpu.vector_load %arg10[%parallel_loop3A_200, %parallel_loop3A_201] {strides = array<i32>} : memref<8x2048xf32, #tpu.memory_space<vmem>>, vector<16xf32>,
        tpu.vector_store %arg10[%parallel_loop3A_200, %parallel_loop3A_201], %parallel_loop3A_174 {strides = array<i32>} : memref<8x2048xf32, #tpu.memory_space<vmem>>, vector<16xf32>,
        %parallel_loop3A_203 = arith.constant 4 : i32
        %parallel_loop3A_204 = arith.index_cast %parallel_loop3A_203 : i32 to index
        %parallel_loop3A_205 = arith.index_cast %parallel_loop3A_160 : i32 to index
        %parallel_loop3A_206 = tpu.vector_load %arg10[%parallel_loop3A_204, %parallel_loop3A_205] {strides = array<i32>} : memref<8x2048xf32, #tpu.memory_space<vmem>>, vector<16xf32>,
        tpu.vector_store %arg10[%parallel_loop3A_204, %parallel_loop3A_205], %parallel_loop3A_177 {strides = array<i32>} : memref<8x2048xf32, #tpu.memory_space<vmem>>, vector<16xf32>,
        %parallel_loop3A_207 = arith.constant 5 : i32
        %parallel_loop3A_208 = arith.index_cast %parallel_loop3A_207 : i32 to index
        %parallel_loop3A_209 = arith.index_cast %parallel_loop3A_160 : i32 to index
        %parallel_loop3A_210 = tpu.vector_load %arg10[%parallel_loop3A_208, %parallel_loop3A_209] {strides = array<i32>} : memref<8x2048xf32, #tpu.memory_space<vmem>>, vector<16xf32>,
        tpu.vector_store %arg10[%parallel_loop3A_208, %parallel_loop3A_209], %parallel_loop3A_180 {strides = array<i32>} : memref<8x2048xf32, #tpu.memory_space<vmem>>, vector<16xf32>,
        %parallel_loop3A_211 = arith.constant 6 : i32
        %parallel_loop3A_212 = arith.index_cast %parallel_loop3A_211 : i32 to index
        %parallel_loop3A_213 = arith.index_cast %parallel_loop3A_160 : i32 to index
        %parallel_loop3A_214 = tpu.vector_load %arg10[%parallel_loop3A_212, %parallel_loop3A_213] {strides = array<i32>} : memref<8x2048xf32, #tpu.memory_space<vmem>>, vector<16xf32>,
        tpu.vector_store %arg10[%parallel_loop3A_212, %parallel_loop3A_213], %parallel_loop3A_183 {strides = array<i32>} : memref<8x2048xf32, #tpu.memory_space<vmem>>, vector<16xf32>,
        %parallel_loop3A_215 = arith.constant 7 : i32
        %parallel_loop3A_216 = arith.index_cast %parallel_loop3A_215 : i32 to index
        %parallel_loop3A_217 = arith.index_cast %parallel_loop3A_160 : i32 to index
        %parallel_loop3A_218 = tpu.vector_load %arg10[%parallel_loop3A_216, %parallel_loop3A_217] {strides = array<i32>} : memref<8x2048xf32, #tpu.memory_space<vmem>>, vector<16xf32>,
        tpu.vector_store %arg10[%parallel_loop3A_216, %parallel_loop3A_217], %parallel_loop3A_186 {strides = array<i32>} : memref<8x2048xf32, #tpu.memory_space<vmem>>, vector<16xf32>,
      } {sc.loop_unroll_factor = 4 : i64, sc.parallel_access}
      %mul3A_111 = arith.constant 8 : i32
      %mul3A_112 = arith.muli %add3A_95, %mul3A_111 : i32
      %add3A_113 = arith.addi %mul3A_2, %mul3A_112 : i32
      %dma_start3A_114 = arith.constant 0 : i32
      %dma_start3A_115 = tpu.memref_slice %arg4[%add3A_113, %dma_start3A_114] : memref<16384x2048xf32, #tpu.memory_space<hbm>> -> memref<8x2048xf32, #tpu.memory_space<hbm>>
      %dma_start3A_116 = arith.constant 0 : i32
      %dma_start3A_117 = tpu.memref_slice %arg4[%add3A_113, %dma_start3A_116] : memref<16384x2048xf32, #tpu.memory_space<hbm>> -> memref<8x2048xf32, #tpu.memory_space<hbm>>
      tpu.enqueue_dma source(%arg10 : memref<8x2048xf32, #tpu.memory_space<vmem>>) target(%dma_start3A_117 : memref<8x2048xf32, #tpu.memory_space<hbm>>) target_semaphore(%arg16 : memref<!tpu.dma_semaphore, #tpu.memory_space<semaphore_mem>>)
      %add3A_118 = arith.constant 3 : i32
      %add3A_119 = arith.addi %add3A_95, %add3A_118 : i32
      %lt3A_120 = arith.constant 64 : i32
      %lt3A_121 = arith.cmpi slt, %add3A_119, %lt3A_120 : i32
      %convert_element_type3A_122 = arith.extui %lt3A_121 : i1 to i32
      %cond3A_123 = arith.constant 0 : i32
      %cond3A_124 = arith.cmpi ne, %convert_element_type3A_122, %cond3A_123 : i32
      scf.if %cond3A_124 {
        %add3A_158 = arith.constant 3 : i32
        %add3A_159 = arith.addi %add3A_95, %add3A_158 : i32
        %mul3A_160 = arith.constant 8 : i32
        %mul3A_161 = arith.muli %add3A_159, %mul3A_160 : i32
        %add3A_162 = arith.addi %mul3A_2, %mul3A_161 : i32
        %dma_start3A_163 = arith.constant 0 : i32
        %dma_start3A_164 = tpu.memref_slice %arg2[%add3A_162, %dma_start3A_163] : memref<16384x2048xf32, #tpu.memory_space<hbm>> -> memref<8x2048xf32, #tpu.memory_space<hbm>>
        %dma_start3A_165 = arith.constant 0 : i32
        %dma_start3A_166 = tpu.memref_slice %arg2[%add3A_162, %dma_start3A_165] : memref<16384x2048xf32, #tpu.memory_space<hbm>> -> memref<8x2048xf32, #tpu.memory_space<hbm>>
        tpu.enqueue_dma source(%dma_start3A_166 : memref<8x2048xf32, #tpu.memory_space<hbm>>) target(%arg7 : memref<8x2048xf32, #tpu.memory_space<vmem>>) target_semaphore(%arg13 : memref<!tpu.dma_semaphore, #tpu.memory_space<semaphore_mem>>)
      } else {
      }
      %mul3A_125 = arith.constant 3 : i32
      %mul3A_126 = arith.muli %scan3A_62, %mul3A_125 : i32
      %add3A_127 = arith.constant 2 : i32
      %add3A_128 = arith.addi %mul3A_126, %add3A_127 : i32
      %mul3A_129 = arith.constant 8 : i32
      %mul3A_130 = arith.muli %add3A_128, %mul3A_129 : i32
      %add3A_131 = arith.addi %mul3A_2, %mul3A_130 : i32
      %dma_wait3A_132 = arith.constant 0 : i32
      %dma_wait3A_133 = tpu.memref_slice %arg2[%add3A_131, %dma_wait3A_132] : memref<16384x2048xf32, #tpu.memory_space<hbm>> -> memref<8x2048xf32, #tpu.memory_space<hbm>>
      %dma_wait3A_134 = arith.constant 0 : i32
      %dma_wait3A_135 = tpu.memref_slice %arg2[%add3A_131, %dma_wait3A_134] : memref<16384x2048xf32, #tpu.memory_space<hbm>> -> memref<8x2048xf32, #tpu.memory_space<hbm>>
      tpu.wait_dma2 semaphore(%arg14 : memref<!tpu.dma_semaphore, #tpu.memory_space<semaphore_mem>>) src(%dma_wait3A_135 : memref<8x2048xf32, #tpu.memory_space<hbm>>) dst(%arg8 : memref<8x2048xf32, #tpu.memory_space<vmem>>)
      %ge3A_136 = arith.constant 3 : i32
      %ge3A_137 = arith.cmpi sge, %add3A_128, %ge3A_136 : i32
      %convert_element_type3A_138 = arith.extui %ge3A_137 : i1 to i32
      %cond3A_139 = arith.constant 0 : i32
      %cond3A_140 = arith.cmpi ne, %convert_element_type3A_138, %cond3A_139 : i32
      scf.if %cond3A_140 {
        %mul3A_158 = arith.constant 8 : i32
        %mul3A_159 = arith.muli %add3A_128, %mul3A_158 : i32
        %add3A_160 = arith.addi %mul3A_2, %mul3A_159 : i32
        %dma_wait3A_161 = arith.constant 0 : i32
        %dma_wait3A_162 = tpu.memref_slice %arg4[%add3A_160, %dma_wait3A_161] : memref<16384x2048xf32, #tpu.memory_space<hbm>> -> memref<8x2048xf32, #tpu.memory_space<hbm>>
        %dma_wait3A_163 = arith.constant 0 : i32
        %dma_wait3A_164 = tpu.memref_slice %arg4[%add3A_160, %dma_wait3A_163] : memref<16384x2048xf32, #tpu.memory_space<hbm>> -> memref<8x2048xf32, #tpu.memory_space<hbm>>
        tpu.wait_dma2 semaphore(%arg17 : memref<!tpu.dma_semaphore, #tpu.memory_space<semaphore_mem>>) src(%arg11 : memref<8x2048xf32, #tpu.memory_space<vmem>>) dst(%dma_wait3A_164 : memref<8x2048xf32, #tpu.memory_space<hbm>>)
      } else {
      }
      %parallel_loop3A_141 = arith.constant 0 : i32
      %parallel_loop3A_142 = arith.constant 128 : i32
      %parallel_loop3A_143 = arith.constant 1 : i32
      scf.for %parallel_loop3A_158 = %parallel_loop3A_141 to %parallel_loop3A_142 step %parallel_loop3A_143  : i32 {
        %parallel_loop3A_159 = arith.constant 16 : i32
        %parallel_loop3A_160 = arith.muli %parallel_loop3A_158, %parallel_loop3A_159 : i32
        %parallel_loop3A_161 = arith.index_cast %parallel_loop3A_160 : i32 to index
        %parallel_loop3A_162 = tpu.vector_load %arg5[%parallel_loop3A_161] {strides = array<i32>} : memref<2048xi32, #tpu.memory_space<vmem>>, vector<16xi32>,
        %parallel_loop3A_163 = arith.constant 0 : i32
        %parallel_loop3A_164 = vector.broadcast %parallel_loop3A_163 : i32 to vector<16xi32>
        %parallel_loop3A_165 = tpu.vector_load_idx %arg8[%parallel_loop3A_164, %parallel_loop3A_162] : memref<8x2048xf32, #tpu.memory_space<vmem>>[vector<16xi32>, vector<16xi32>], vector<16xf32>,
        %parallel_loop3A_166 = arith.constant 1 : i32
        %parallel_loop3A_167 = vector.broadcast %parallel_loop3A_166 : i32 to vector<16xi32>
        %parallel_loop3A_168 = tpu.vector_load_idx %arg8[%parallel_loop3A_167, %parallel_loop3A_162] : memref<8x2048xf32, #tpu.memory_space<vmem>>[vector<16xi32>, vector<16xi32>], vector<16xf32>,
        %parallel_loop3A_169 = arith.constant 2 : i32
        %parallel_loop3A_170 = vector.broadcast %parallel_loop3A_169 : i32 to vector<16xi32>
        %parallel_loop3A_171 = tpu.vector_load_idx %arg8[%parallel_loop3A_170, %parallel_loop3A_162] : memref<8x2048xf32, #tpu.memory_space<vmem>>[vector<16xi32>, vector<16xi32>], vector<16xf32>,
        %parallel_loop3A_172 = arith.constant 3 : i32
        %parallel_loop3A_173 = vector.broadcast %parallel_loop3A_172 : i32 to vector<16xi32>
        %parallel_loop3A_174 = tpu.vector_load_idx %arg8[%parallel_loop3A_173, %parallel_loop3A_162] : memref<8x2048xf32, #tpu.memory_space<vmem>>[vector<16xi32>, vector<16xi32>], vector<16xf32>,
        %parallel_loop3A_175 = arith.constant 4 : i32
        %parallel_loop3A_176 = vector.broadcast %parallel_loop3A_175 : i32 to vector<16xi32>
        %parallel_loop3A_177 = tpu.vector_load_idx %arg8[%parallel_loop3A_176, %parallel_loop3A_162] : memref<8x2048xf32, #tpu.memory_space<vmem>>[vector<16xi32>, vector<16xi32>], vector<16xf32>,
        %parallel_loop3A_178 = arith.constant 5 : i32
        %parallel_loop3A_179 = vector.broadcast %parallel_loop3A_178 : i32 to vector<16xi32>
        %parallel_loop3A_180 = tpu.vector_load_idx %arg8[%parallel_loop3A_179, %parallel_loop3A_162] : memref<8x2048xf32, #tpu.memory_space<vmem>>[vector<16xi32>, vector<16xi32>], vector<16xf32>,
        %parallel_loop3A_181 = arith.constant 6 : i32
        %parallel_loop3A_182 = vector.broadcast %parallel_loop3A_181 : i32 to vector<16xi32>
        %parallel_loop3A_183 = tpu.vector_load_idx %arg8[%parallel_loop3A_182, %parallel_loop3A_162] : memref<8x2048xf32, #tpu.memory_space<vmem>>[vector<16xi32>, vector<16xi32>], vector<16xf32>,
        %parallel_loop3A_184 = arith.constant 7 : i32
        %parallel_loop3A_185 = vector.broadcast %parallel_loop3A_184 : i32 to vector<16xi32>
        %parallel_loop3A_186 = tpu.vector_load_idx %arg8[%parallel_loop3A_185, %parallel_loop3A_162] : memref<8x2048xf32, #tpu.memory_space<vmem>>[vector<16xi32>, vector<16xi32>], vector<16xf32>,
        %parallel_loop3A_187 = arith.constant 0 : i32
        %parallel_loop3A_188 = arith.index_cast %parallel_loop3A_187 : i32 to index
        %parallel_loop3A_189 = arith.index_cast %parallel_loop3A_160 : i32 to index
        %parallel_loop3A_190 = tpu.vector_load %arg11[%parallel_loop3A_188, %parallel_loop3A_189] {strides = array<i32>} : memref<8x2048xf32, #tpu.memory_space<vmem>>, vector<16xf32>,
        tpu.vector_store %arg11[%parallel_loop3A_188, %parallel_loop3A_189], %parallel_loop3A_165 {strides = array<i32>} : memref<8x2048xf32, #tpu.memory_space<vmem>>, vector<16xf32>,
        %parallel_loop3A_191 = arith.constant 1 : i32
        %parallel_loop3A_192 = arith.index_cast %parallel_loop3A_191 : i32 to index
        %parallel_loop3A_193 = arith.index_cast %parallel_loop3A_160 : i32 to index
        %parallel_loop3A_194 = tpu.vector_load %arg11[%parallel_loop3A_192, %parallel_loop3A_193] {strides = array<i32>} : memref<8x2048xf32, #tpu.memory_space<vmem>>, vector<16xf32>,
        tpu.vector_store %arg11[%parallel_loop3A_192, %parallel_loop3A_193], %parallel_loop3A_168 {strides = array<i32>} : memref<8x2048xf32, #tpu.memory_space<vmem>>, vector<16xf32>,
        %parallel_loop3A_195 = arith.constant 2 : i32
        %parallel_loop3A_196 = arith.index_cast %parallel_loop3A_195 : i32 to index
        %parallel_loop3A_197 = arith.index_cast %parallel_loop3A_160 : i32 to index
        %parallel_loop3A_198 = tpu.vector_load %arg11[%parallel_loop3A_196, %parallel_loop3A_197] {strides = array<i32>} : memref<8x2048xf32, #tpu.memory_space<vmem>>, vector<16xf32>,
        tpu.vector_store %arg11[%parallel_loop3A_196, %parallel_loop3A_197], %parallel_loop3A_171 {strides = array<i32>} : memref<8x2048xf32, #tpu.memory_space<vmem>>, vector<16xf32>,
        %parallel_loop3A_199 = arith.constant 3 : i32
        %parallel_loop3A_200 = arith.index_cast %parallel_loop3A_199 : i32 to index
        %parallel_loop3A_201 = arith.index_cast %parallel_loop3A_160 : i32 to index
        %parallel_loop3A_202 = tpu.vector_load %arg11[%parallel_loop3A_200, %parallel_loop3A_201] {strides = array<i32>} : memref<8x2048xf32, #tpu.memory_space<vmem>>, vector<16xf32>,
        tpu.vector_store %arg11[%parallel_loop3A_200, %parallel_loop3A_201], %parallel_loop3A_174 {strides = array<i32>} : memref<8x2048xf32, #tpu.memory_space<vmem>>, vector<16xf32>,
        %parallel_loop3A_203 = arith.constant 4 : i32
        %parallel_loop3A_204 = arith.index_cast %parallel_loop3A_203 : i32 to index
        %parallel_loop3A_205 = arith.index_cast %parallel_loop3A_160 : i32 to index
        %parallel_loop3A_206 = tpu.vector_load %arg11[%parallel_loop3A_204, %parallel_loop3A_205] {strides = array<i32>} : memref<8x2048xf32, #tpu.memory_space<vmem>>, vector<16xf32>,
        tpu.vector_store %arg11[%parallel_loop3A_204, %parallel_loop3A_205], %parallel_loop3A_177 {strides = array<i32>} : memref<8x2048xf32, #tpu.memory_space<vmem>>, vector<16xf32>,
        %parallel_loop3A_207 = arith.constant 5 : i32
        %parallel_loop3A_208 = arith.index_cast %parallel_loop3A_207 : i32 to index
        %parallel_loop3A_209 = arith.index_cast %parallel_loop3A_160 : i32 to index
        %parallel_loop3A_210 = tpu.vector_load %arg11[%parallel_loop3A_208, %parallel_loop3A_209] {strides = array<i32>} : memref<8x2048xf32, #tpu.memory_space<vmem>>, vector<16xf32>,
        tpu.vector_store %arg11[%parallel_loop3A_208, %parallel_loop3A_209], %parallel_loop3A_180 {strides = array<i32>} : memref<8x2048xf32, #tpu.memory_space<vmem>>, vector<16xf32>,
        %parallel_loop3A_211 = arith.constant 6 : i32
        %parallel_loop3A_212 = arith.index_cast %parallel_loop3A_211 : i32 to index
        %parallel_loop3A_213 = arith.index_cast %parallel_loop3A_160 : i32 to index
        %parallel_loop3A_214 = tpu.vector_load %arg11[%parallel_loop3A_212, %parallel_loop3A_213] {strides = array<i32>} : memref<8x2048xf32, #tpu.memory_space<vmem>>, vector<16xf32>,
        tpu.vector_store %arg11[%parallel_loop3A_212, %parallel_loop3A_213], %parallel_loop3A_183 {strides = array<i32>} : memref<8x2048xf32, #tpu.memory_space<vmem>>, vector<16xf32>,
        %parallel_loop3A_215 = arith.constant 7 : i32
        %parallel_loop3A_216 = arith.index_cast %parallel_loop3A_215 : i32 to index
        %parallel_loop3A_217 = arith.index_cast %parallel_loop3A_160 : i32 to index
        %parallel_loop3A_218 = tpu.vector_load %arg11[%parallel_loop3A_216, %parallel_loop3A_217] {strides = array<i32>} : memref<8x2048xf32, #tpu.memory_space<vmem>>, vector<16xf32>,
        tpu.vector_store %arg11[%parallel_loop3A_216, %parallel_loop3A_217], %parallel_loop3A_186 {strides = array<i32>} : memref<8x2048xf32, #tpu.memory_space<vmem>>, vector<16xf32>,
      } {sc.loop_unroll_factor = 4 : i64, sc.parallel_access}
      %mul3A_144 = arith.constant 8 : i32
      %mul3A_145 = arith.muli %add3A_128, %mul3A_144 : i32
      %add3A_146 = arith.addi %mul3A_2, %mul3A_145 : i32
      %dma_start3A_147 = arith.constant 0 : i32
      %dma_start3A_148 = tpu.memref_slice %arg4[%add3A_146, %dma_start3A_147] : memref<16384x2048xf32, #tpu.memory_space<hbm>> -> memref<8x2048xf32, #tpu.memory_space<hbm>>
      %dma_start3A_149 = arith.constant 0 : i32
      %dma_start3A_150 = tpu.memref_slice %arg4[%add3A_146, %dma_start3A_149] : memref<16384x2048xf32, #tpu.memory_space<hbm>> -> memref<8x2048xf32, #tpu.memory_space<hbm>>
      tpu.enqueue_dma source(%arg11 : memref<8x2048xf32, #tpu.memory_space<vmem>>) target(%dma_start3A_150 : memref<8x2048xf32, #tpu.memory_space<hbm>>) target_semaphore(%arg17 : memref<!tpu.dma_semaphore, #tpu.memory_space<semaphore_mem>>)
      %add3A_151 = arith.constant 3 : i32
      %add3A_152 = arith.addi %add3A_128, %add3A_151 : i32
      %lt3A_153 = arith.constant 64 : i32
      %lt3A_154 = arith.cmpi slt, %add3A_152, %lt3A_153 : i32
      %convert_element_type3A_155 = arith.extui %lt3A_154 : i1 to i32
      %cond3A_156 = arith.constant 0 : i32
      %cond3A_157 = arith.cmpi ne, %convert_element_type3A_155, %cond3A_156 : i32
      scf.if %cond3A_157 {
        %add3A_158 = arith.constant 3 : i32
        %add3A_159 = arith.addi %add3A_128, %add3A_158 : i32
        %mul3A_160 = arith.constant 8 : i32
        %mul3A_161 = arith.muli %add3A_159, %mul3A_160 : i32
        %add3A_162 = arith.addi %mul3A_2, %mul3A_161 : i32
        %dma_start3A_163 = arith.constant 0 : i32
        %dma_start3A_164 = tpu.memref_slice %arg2[%add3A_162, %dma_start3A_163] : memref<16384x2048xf32, #tpu.memory_space<hbm>> -> memref<8x2048xf32, #tpu.memory_space<hbm>>
        %dma_start3A_165 = arith.constant 0 : i32
        %dma_start3A_166 = tpu.memref_slice %arg2[%add3A_162, %dma_start3A_165] : memref<16384x2048xf32, #tpu.memory_space<hbm>> -> memref<8x2048xf32, #tpu.memory_space<hbm>>
        tpu.enqueue_dma source(%dma_start3A_166 : memref<8x2048xf32, #tpu.memory_space<hbm>>) target(%arg8 : memref<8x2048xf32, #tpu.memory_space<vmem>>) target_semaphore(%arg14 : memref<!tpu.dma_semaphore, #tpu.memory_space<semaphore_mem>>)
      } else {
      }
    }
    %scan3A_24 = arith.constant 21 : i32
    %add3A_25 = arith.constant 504 : i32
    %add3A_26 = arith.addi %mul3A_2, %add3A_25 : i32
    %dma_wait3A = arith.constant 0 : i32
    %dma_wait3A_27 = tpu.memref_slice %arg2[%add3A_26, %dma_wait3A] : memref<16384x2048xf32, #tpu.memory_space<hbm>> -> memref<8x2048xf32, #tpu.memory_space<hbm>>
    %dma_wait3A_28 = arith.constant 0 : i32
    %dma_wait3A_29 = tpu.memref_slice %arg2[%add3A_26, %dma_wait3A_28] : memref<16384x2048xf32, #tpu.memory_space<hbm>> -> memref<8x2048xf32, #tpu.memory_space<hbm>>
    tpu.wait_dma2 semaphore(%arg12 : memref<!tpu.dma_semaphore, #tpu.memory_space<semaphore_mem>>) src(%dma_wait3A_29 : memref<8x2048xf32, #tpu.memory_space<hbm>>) dst(%arg6 : memref<8x2048xf32, #tpu.memory_space<vmem>>)
    %add3A_30 = arith.constant 504 : i32
    %add3A_31 = arith.addi %mul3A_2, %add3A_30 : i32
    %dma_wait3A_32 = arith.constant 0 : i32
    %dma_wait3A_33 = tpu.memref_slice %arg4[%add3A_31, %dma_wait3A_32] : memref<16384x2048xf32, #tpu.memory_space<hbm>> -> memref<8x2048xf32, #tpu.memory_space<hbm>>
    %dma_wait3A_34 = arith.constant 0 : i32
    %dma_wait3A_35 = tpu.memref_slice %arg4[%add3A_31, %dma_wait3A_34] : memref<16384x2048xf32, #tpu.memory_space<hbm>> -> memref<8x2048xf32, #tpu.memory_space<hbm>>
    tpu.wait_dma2 semaphore(%arg15 : memref<!tpu.dma_semaphore, #tpu.memory_space<semaphore_mem>>) src(%arg9 : memref<8x2048xf32, #tpu.memory_space<vmem>>) dst(%dma_wait3A_35 : memref<8x2048xf32, #tpu.memory_space<hbm>>)
    %parallel_loop3A = arith.constant 0 : i32
    %parallel_loop3A_36 = arith.constant 128 : i32
    %parallel_loop3A_37 = arith.constant 1 : i32
    scf.for %parallel_loop3A_62 = %parallel_loop3A to %parallel_loop3A_36 step %parallel_loop3A_37  : i32 {
      %parallel_loop3A_63 = arith.constant 16 : i32
      %parallel_loop3A_64 = arith.muli %parallel_loop3A_62, %parallel_loop3A_63 : i32
      %parallel_loop3A_65 = arith.index_cast %parallel_loop3A_64 : i32 to index
      %parallel_loop3A_66 = tpu.vector_load %arg5[%parallel_loop3A_65] {strides = array<i32>} : memref<2048xi32, #tpu.memory_space<vmem>>, vector<16xi32>,
      %parallel_loop3A_67 = arith.constant 0 : i32
      %parallel_loop3A_68 = vector.broadcast %parallel_loop3A_67 : i32 to vector<16xi32>
      %parallel_loop3A_69 = tpu.vector_load_idx %arg6[%parallel_loop3A_68, %parallel_loop3A_66] : memref<8x2048xf32, #tpu.memory_space<vmem>>[vector<16xi32>, vector<16xi32>], vector<16xf32>,
      %parallel_loop3A_70 = arith.constant 1 : i32
      %parallel_loop3A_71 = vector.broadcast %parallel_loop3A_70 : i32 to vector<16xi32>
      %parallel_loop3A_72 = tpu.vector_load_idx %arg6[%parallel_loop3A_71, %parallel_loop3A_66] : memref<8x2048xf32, #tpu.memory_space<vmem>>[vector<16xi32>, vector<16xi32>], vector<16xf32>,
      %parallel_loop3A_73 = arith.constant 2 : i32
      %parallel_loop3A_74 = vector.broadcast %parallel_loop3A_73 : i32 to vector<16xi32>
      %parallel_loop3A_75 = tpu.vector_load_idx %arg6[%parallel_loop3A_74, %parallel_loop3A_66] : memref<8x2048xf32, #tpu.memory_space<vmem>>[vector<16xi32>, vector<16xi32>], vector<16xf32>,
      %parallel_loop3A_76 = arith.constant 3 : i32
      %parallel_loop3A_77 = vector.broadcast %parallel_loop3A_76 : i32 to vector<16xi32>
      %parallel_loop3A_78 = tpu.vector_load_idx %arg6[%parallel_loop3A_77, %parallel_loop3A_66] : memref<8x2048xf32, #tpu.memory_space<vmem>>[vector<16xi32>, vector<16xi32>], vector<16xf32>,
      %parallel_loop3A_79 = arith.constant 4 : i32
      %parallel_loop3A_80 = vector.broadcast %parallel_loop3A_79 : i32 to vector<16xi32>
      %parallel_loop3A_81 = tpu.vector_load_idx %arg6[%parallel_loop3A_80, %parallel_loop3A_66] : memref<8x2048xf32, #tpu.memory_space<vmem>>[vector<16xi32>, vector<16xi32>], vector<16xf32>,
      %parallel_loop3A_82 = arith.constant 5 : i32
      %parallel_loop3A_83 = vector.broadcast %parallel_loop3A_82 : i32 to vector<16xi32>
      %parallel_loop3A_84 = tpu.vector_load_idx %arg6[%parallel_loop3A_83, %parallel_loop3A_66] : memref<8x2048xf32, #tpu.memory_space<vmem>>[vector<16xi32>, vector<16xi32>], vector<16xf32>,
      %parallel_loop3A_85 = arith.constant 6 : i32
      %parallel_loop3A_86 = vector.broadcast %parallel_loop3A_85 : i32 to vector<16xi32>
      %parallel_loop3A_87 = tpu.vector_load_idx %arg6[%parallel_loop3A_86, %parallel_loop3A_66] : memref<8x2048xf32, #tpu.memory_space<vmem>>[vector<16xi32>, vector<16xi32>], vector<16xf32>,
      %parallel_loop3A_88 = arith.constant 7 : i32
      %parallel_loop3A_89 = vector.broadcast %parallel_loop3A_88 : i32 to vector<16xi32>
      %parallel_loop3A_90 = tpu.vector_load_idx %arg6[%parallel_loop3A_89, %parallel_loop3A_66] : memref<8x2048xf32, #tpu.memory_space<vmem>>[vector<16xi32>, vector<16xi32>], vector<16xf32>,
      %parallel_loop3A_91 = arith.constant 0 : i32
      %parallel_loop3A_92 = arith.index_cast %parallel_loop3A_91 : i32 to index
      %parallel_loop3A_93 = arith.index_cast %parallel_loop3A_64 : i32 to index
      %parallel_loop3A_94 = tpu.vector_load %arg9[%parallel_loop3A_92, %parallel_loop3A_93] {strides = array<i32>} : memref<8x2048xf32, #tpu.memory_space<vmem>>, vector<16xf32>,
      tpu.vector_store %arg9[%parallel_loop3A_92, %parallel_loop3A_93], %parallel_loop3A_69 {strides = array<i32>} : memref<8x2048xf32, #tpu.memory_space<vmem>>, vector<16xf32>,
      %parallel_loop3A_95 = arith.constant 1 : i32
      %parallel_loop3A_96 = arith.index_cast %parallel_loop3A_95 : i32 to index
      %parallel_loop3A_97 = arith.index_cast %parallel_loop3A_64 : i32 to index
      %parallel_loop3A_98 = tpu.vector_load %arg9[%parallel_loop3A_96, %parallel_loop3A_97] {strides = array<i32>} : memref<8x2048xf32, #tpu.memory_space<vmem>>, vector<16xf32>,
      tpu.vector_store %arg9[%parallel_loop3A_96, %parallel_loop3A_97], %parallel_loop3A_72 {strides = array<i32>} : memref<8x2048xf32, #tpu.memory_space<vmem>>, vector<16xf32>,
      %parallel_loop3A_99 = arith.constant 2 : i32
      %parallel_loop3A_100 = arith.index_cast %parallel_loop3A_99 : i32 to index
      %parallel_loop3A_101 = arith.index_cast %parallel_loop3A_64 : i32 to index
      %parallel_loop3A_102 = tpu.vector_load %arg9[%parallel_loop3A_100, %parallel_loop3A_101] {strides = array<i32>} : memref<8x2048xf32, #tpu.memory_space<vmem>>, vector<16xf32>,
      tpu.vector_store %arg9[%parallel_loop3A_100, %parallel_loop3A_101], %parallel_loop3A_75 {strides = array<i32>} : memref<8x2048xf32, #tpu.memory_space<vmem>>, vector<16xf32>,
      %parallel_loop3A_103 = arith.constant 3 : i32
      %parallel_loop3A_104 = arith.index_cast %parallel_loop3A_103 : i32 to index
      %parallel_loop3A_105 = arith.index_cast %parallel_loop3A_64 : i32 to index
      %parallel_loop3A_106 = tpu.vector_load %arg9[%parallel_loop3A_104, %parallel_loop3A_105] {strides = array<i32>} : memref<8x2048xf32, #tpu.memory_space<vmem>>, vector<16xf32>,
      tpu.vector_store %arg9[%parallel_loop3A_104, %parallel_loop3A_105], %parallel_loop3A_78 {strides = array<i32>} : memref<8x2048xf32, #tpu.memory_space<vmem>>, vector<16xf32>,
      %parallel_loop3A_107 = arith.constant 4 : i32
      %parallel_loop3A_108 = arith.index_cast %parallel_loop3A_107 : i32 to index
      %parallel_loop3A_109 = arith.index_cast %parallel_loop3A_64 : i32 to index
      %parallel_loop3A_110 = tpu.vector_load %arg9[%parallel_loop3A_108, %parallel_loop3A_109] {strides = array<i32>} : memref<8x2048xf32, #tpu.memory_space<vmem>>, vector<16xf32>,
      tpu.vector_store %arg9[%parallel_loop3A_108, %parallel_loop3A_109], %parallel_loop3A_81 {strides = array<i32>} : memref<8x2048xf32, #tpu.memory_space<vmem>>, vector<16xf32>,
      %parallel_loop3A_111 = arith.constant 5 : i32
      %parallel_loop3A_112 = arith.index_cast %parallel_loop3A_111 : i32 to index
      %parallel_loop3A_113 = arith.index_cast %parallel_loop3A_64 : i32 to index
      %parallel_loop3A_114 = tpu.vector_load %arg9[%parallel_loop3A_112, %parallel_loop3A_113] {strides = array<i32>} : memref<8x2048xf32, #tpu.memory_space<vmem>>, vector<16xf32>,
      tpu.vector_store %arg9[%parallel_loop3A_112, %parallel_loop3A_113], %parallel_loop3A_84 {strides = array<i32>} : memref<8x2048xf32, #tpu.memory_space<vmem>>, vector<16xf32>,
      %parallel_loop3A_115 = arith.constant 6 : i32
      %parallel_loop3A_116 = arith.index_cast %parallel_loop3A_115 : i32 to index
      %parallel_loop3A_117 = arith.index_cast %parallel_loop3A_64 : i32 to index
      %parallel_loop3A_118 = tpu.vector_load %arg9[%parallel_loop3A_116, %parallel_loop3A_117] {strides = array<i32>} : memref<8x2048xf32, #tpu.memory_space<vmem>>, vector<16xf32>,
      tpu.vector_store %arg9[%parallel_loop3A_116, %parallel_loop3A_117], %parallel_loop3A_87 {strides = array<i32>} : memref<8x2048xf32, #tpu.memory_space<vmem>>, vector<16xf32>,
      %parallel_loop3A_119 = arith.constant 7 : i32
      %parallel_loop3A_120 = arith.index_cast %parallel_loop3A_119 : i32 to index
      %parallel_loop3A_121 = arith.index_cast %parallel_loop3A_64 : i32 to index
      %parallel_loop3A_122 = tpu.vector_load %arg9[%parallel_loop3A_120, %parallel_loop3A_121] {strides = array<i32>} : memref<8x2048xf32, #tpu.memory_space<vmem>>, vector<16xf32>,
      tpu.vector_store %arg9[%parallel_loop3A_120, %parallel_loop3A_121], %parallel_loop3A_90 {strides = array<i32>} : memref<8x2048xf32, #tpu.memory_space<vmem>>, vector<16xf32>,
    } {sc.loop_unroll_factor = 4 : i64, sc.parallel_access}
    %add3A_38 = arith.constant 504 : i32
    %add3A_39 = arith.addi %mul3A_2, %add3A_38 : i32
    %dma_start3A_40 = arith.constant 0 : i32
    %dma_start3A_41 = tpu.memref_slice %arg4[%add3A_39, %dma_start3A_40] : memref<16384x2048xf32, #tpu.memory_space<hbm>> -> memref<8x2048xf32, #tpu.memory_space<hbm>>
    %dma_start3A_42 = arith.constant 0 : i32
    %dma_start3A_43 = tpu.memref_slice %arg4[%add3A_39, %dma_start3A_42] : memref<16384x2048xf32, #tpu.memory_space<hbm>> -> memref<8x2048xf32, #tpu.memory_space<hbm>>
    tpu.enqueue_dma source(%arg9 : memref<8x2048xf32, #tpu.memory_space<vmem>>) target(%dma_start3A_43 : memref<8x2048xf32, #tpu.memory_space<hbm>>) target_semaphore(%arg15 : memref<!tpu.dma_semaphore, #tpu.memory_space<semaphore_mem>>)
    %add3A_44 = arith.constant 0 : i32
    %add3A_45 = arith.addi %mul3A_2, %add3A_44 : i32
    %dma_wait3A_46 = arith.constant 0 : i32
    %dma_wait3A_47 = tpu.memref_slice %arg4[%add3A_45, %dma_wait3A_46] : memref<16384x2048xf32, #tpu.memory_space<hbm>> -> memref<8x2048xf32, #tpu.memory_space<hbm>>
    %dma_wait3A_48 = arith.constant 0 : i32
    %dma_wait3A_49 = tpu.memref_slice %arg4[%add3A_45, %dma_wait3A_48] : memref<16384x2048xf32, #tpu.memory_space<hbm>> -> memref<8x2048xf32, #tpu.memory_space<hbm>>
    tpu.wait_dma2 semaphore(%arg15 : memref<!tpu.dma_semaphore, #tpu.memory_space<semaphore_mem>>) src(%arg9 : memref<8x2048xf32, #tpu.memory_space<vmem>>) dst(%dma_wait3A_49 : memref<8x2048xf32, #tpu.memory_space<hbm>>)
    %add3A_50 = arith.constant 0 : i32
    %add3A_51 = arith.addi %mul3A_2, %add3A_50 : i32
    %dma_wait3A_52 = arith.constant 0 : i32
    %dma_wait3A_53 = tpu.memref_slice %arg4[%add3A_51, %dma_wait3A_52] : memref<16384x2048xf32, #tpu.memory_space<hbm>> -> memref<8x2048xf32, #tpu.memory_space<hbm>>
    %dma_wait3A_54 = arith.constant 0 : i32
    %dma_wait3A_55 = tpu.memref_slice %arg4[%add3A_51, %dma_wait3A_54] : memref<16384x2048xf32, #tpu.memory_space<hbm>> -> memref<8x2048xf32, #tpu.memory_space<hbm>>
    tpu.wait_dma2 semaphore(%arg16 : memref<!tpu.dma_semaphore, #tpu.memory_space<semaphore_mem>>) src(%arg10 : memref<8x2048xf32, #tpu.memory_space<vmem>>) dst(%dma_wait3A_55 : memref<8x2048xf32, #tpu.memory_space<hbm>>)
    %add3A_56 = arith.constant 0 : i32
    %add3A_57 = arith.addi %mul3A_2, %add3A_56 : i32
    %dma_wait3A_58 = arith.constant 0 : i32
    %dma_wait3A_59 = tpu.memref_slice %arg4[%add3A_57, %dma_wait3A_58] : memref<16384x2048xf32, #tpu.memory_space<hbm>> -> memref<8x2048xf32, #tpu.memory_space<hbm>>
    %dma_wait3A_60 = arith.constant 0 : i32
    %dma_wait3A_61 = tpu.memref_slice %arg4[%add3A_57, %dma_wait3A_60] : memref<16384x2048xf32, #tpu.memory_space<hbm>> -> memref<8x2048xf32, #tpu.memory_space<hbm>>
    tpu.wait_dma2 semaphore(%arg17 : memref<!tpu.dma_semaphore, #tpu.memory_space<semaphore_mem>>) src(%arg11 : memref<8x2048xf32, #tpu.memory_space<vmem>>) dst(%dma_wait3A_61 : memref<8x2048xf32, #tpu.memory_space<hbm>>)
    return
  }
}

</mosaic_0001>

<sc_bundles>
// kernel: kernel.3.cloned.1.call-start
scs
__scs_entry_jumppad:
0x0: {  	(pc) =	sbr.rel $0x88, $3  }
0x1: {  	(tag) =	ssettag $0x0;
	lr =	simm.s32 $0x1  }
0x2: {  	[smem:$0x3F9F] =	sst lr;
	_ =	strace $0xD0000000  }
0x3: {  	_ = 	snop  }
0x4: {  	_ = 	snop  }
0x5: {  	_ = 	snop  }
0x6: {  	_ = 	snop  }
0x7: {  	_ = 	snop  }
__scs_overlays_trampoline_lowered:
0x8: {  	[smem:$0x3FAE] =	sst s0  }
0x9: {  	[smem:$0x3FAF] =	sst s1  }
0xa: {  	[smem:$0x3FB0] =	sst s2  }
0xb: {  	[smem:$0x3FB1] =	sst s3  }
0xc: {  	[smem:$0x3FB2] =	sst s4  }
0xd: {  	[smem:$0x3FB3] =	sst s5  }
0xe: {  	[smem:$0x3FB4] =	sst s6  }
0xf: {  	[smem:$0x3FB5] =	sst s7  }
0x10: {  	[smem:$0x3FB6] =	sst s8  }
0x11: {  	[smem:$0x3FB7] =	sst s9;
	s0 =	simm.s32 @!p0 $0x0  }
0x12: {  	s1 =	sld [smem:$0x3F9D];
	s0 =	simm.s32 @p0 $0x1  }
0x13: {  	[smem:$0x3FB8] =	sst s0;
	s0 =	simm.s32 @!p1 $0x0  }
0x14: {  	s2 =	sld [smem:$0x3F9C];
	s0 =	simm.s32 @p1 $0x1  }
0x15: {  	[smem:$0x3FB9] =	sst s0;
	s0 =	simm.s32 @!p2 $0x0  }
0x16: {  	s3 =	sld [smem:$0x3FDB];
	s0 =	simm.s32 @p2 $0x1  }
0x17: {  	s4 =	simm.s32 $0x1BF5;
	[smem:$0x3FBB] =	sst s0  }
0x18: {  	s0 =	sld [smem:$0x3F9E];
	_ =	swait.ge [sflag:s4], $0x0  }
0x19: {  	s7 =	sld [smem:$0x3F9F]  }
0x1a: {  	s8 =	sadd.s32 $0xFFFFE003, lr  }
0x1b: {  	s9 =	sadd.s32 $0xFFFFFEF7, lr;
	s5 =	simm.s32 $0xFFFFFFFF;
	p2 =	slt.u32 s8, $0xFFFFF086  }
0x1c: {  	p1 =	slt.u32 s9, $0xF7A;
	s5 =	simm.s32 @!p2 $0x0  }
0x1d: {  	s5 =	simm.s32 @p1 $0x1;
	p0 =	seq.s32 s7, s2  }
0x1e: {  	s7 =	smul.u32 @!p0 $0xF7A, s2;
	p2 =	seq.s32 @!p0 s5, $0x0  }
0x1f: {  	s9 =	smul.u32 $0xF7A, s1;
	s8 =	simm.s32 @!p0 $0x1BF5;
	p2 =	por !p2, p0  }
0x20: {  	[sflag:s8] =	ssyncset.s32 @!p0 $0xFFFFF086;
	s6 =	sadd.s32 @!p0 s3, s7;
	s7 =	simm.s32 @!p0 $0x108  }
0x21: {  	s3 =	sadd.s32 s3, s9;
	s6 =	sadd.s32 @!p0 $0x88, s6;
	s7 =	simm.s32 @p2 $0x1082  }
0x22: {  	[simem:s7], [sflag:s8] =	dma.local @!p0 [hbm:s6], $0xF7A  }
0x23: {  	s9 =	sor.u32 $0xD0000000, s2;
	s6 =	simm.s32 $0x108;
	_ =	swait.ge @!p0 [sflag:s8], $0x0  }
0x24: {  	s3 =	sadd.s32 $0x88, s3;
	s6 =	simm.s32 @!p1 $0x1082;
	[sflag:s4] =	ssyncset.s32 $0xFFFFF086  }
0x25: {  	[simem:s6], [sflag:s4] =	dma.local [hbm:s3], $0xF7A  }
0x26: {  	[smem:$0x3F9F] =	sst s1;
	(tag) =	ssettag s2;
	_ =	strace s9  }
0x27: {  	s1 =	sld [smem:$0x3FAF]  }
0x28: {  	s2 =	sld [smem:$0x3FB0]  }
0x29: {  	s4 =	sld [smem:$0x3FB2]  }
0x2a: {  	p0 =	seq.s32 s5, $0x0;
	s5 =	sld [smem:$0x3FB3]  }
0x2b: {  	s6 =	sld [smem:$0x3FB4]  }
0x2c: {  	s7 =	sld [smem:$0x3FB5]  }
0x2d: {  	s3 =	simm.s32 $0x108;
	s8 =	sld [smem:$0x3FB6]  }
0x2e: {  	s3 =	simm.s32 @!p0 $0x1082;
	s9 =	sld [smem:$0x3FB7]  }
0x2f: {  	lr =	sadd.s32 s0, s3;
	s0 =	sld [smem:$0x3FAE]  }
0x30: {  	s3 =	sld [smem:$0x3FB1]  }
0x31: {  	[smem:$0x3FBA] =	sst s10  }
0x32: {  	s10 =	sld [smem:$0x3FB8];
	_ =	sdelay $0x3  }
0x33: {  	p0 =	seq.s32 s10, $0x1;
	s10 =	sld [smem:$0x3FBA];
	_ =	sdelay $0x3  }
0x34: {  	[smem:$0x3FBA] =	sst s10  }
0x35: {  	s10 =	sld [smem:$0x3FB9];
	_ =	sdelay $0x3  }
0x36: {  	p1 =	seq.s32 s10, $0x1;
	s10 =	sld [smem:$0x3FBA];
	_ =	sdelay $0x3  }
0x37: {  	[smem:$0x3FBA] =	sst s10  }
0x38: {  	s10 =	sld [smem:$0x3FBB]  }
0x39: {  	_ = 	snop;
	(pc) =	sbr.ind lr, $3  }
0x3a: {  	_ = 	snop  }
0x3b: {  	_ = 	snop  }
0x3c: {  	p2 =	seq.s32 s10, $0x1;
	s10 =	sld [smem:$0x3FBA]  }
0x3d: {  	_ =	shalt  }
0x3e: {  	_ =	shalt  }
0x3f: {  	_ =	shalt  }
0x40: {  	_ =	shalt  }
0x41: {  	_ =	shalt  }
0x42: {  	_ =	shalt  }
0x43: {  	_ =	shalt  }
0x44: {  	_ =	shalt  }
0x45: {  	_ =	shalt  }
0x46: {  	_ =	shalt  }
0x47: {  	_ =	shalt  }
0x48: {  	_ =	shalt  }
0x49: {  	_ =	shalt  }
0x4a: {  	_ =	shalt  }
0x4b: {  	_ =	shalt  }
0x4c: {  	_ =	shalt  }
0x4d: {  	_ =	shalt  }
0x4e: {  	_ =	shalt  }
0x4f: {  	_ =	shalt  }
0x50: {  	_ =	shalt  }
0x51: {  	_ =	shalt  }
0x52: {  	_ =	shalt  }
0x53: {  	_ =	shalt  }
0x54: {  	_ =	shalt  }
0x55: {  	_ =	shalt  }
0x56: {  	_ =	shalt  }
0x57: {  	_ =	shalt  }
0x58: {  	_ =	shalt  }
0x59: {  	_ =	shalt  }
0x5a: {  	_ =	shalt  }
0x5b: {  	_ =	shalt  }
0x5c: {  	_ =	shalt  }
0x5d: {  	_ =	shalt  }
0x5e: {  	_ =	shalt  }
0x5f: {  	_ =	shalt  }
0x60: {  	_ =	shalt  }
0x61: {  	_ =	shalt  }
0x62: {  	_ =	shalt  }
0x63: {  	_ =	shalt  }
0x64: {  	_ =	shalt  }
0x65: {  	_ =	shalt  }
0x66: {  	_ =	shalt  }
0x67: {  	_ =	shalt  }
0x68: {  	_ =	shalt  }
0x69: {  	_ =	shalt  }
0x6a: {  	_ =	shalt  }
0x6b: {  	_ =	shalt  }
0x6c: {  	_ =	shalt  }
0x6d: {  	_ =	shalt  }
0x6e: {  	_ =	shalt  }
0x6f: {  	_ =	shalt  }
0x70: {  	_ =	shalt  }
0x71: {  	_ =	shalt  }
0x72: {  	_ =	shalt  }
0x73: {  	_ =	shalt  }
0x74: {  	_ =	shalt  }
0x75: {  	_ =	shalt  }
0x76: {  	_ =	shalt  }
0x77: {  	_ =	shalt  }
0x78: {  	_ =	shalt  }
0x79: {  	_ =	shalt  }
0x7a: {  	_ =	shalt  }
0x7b: {  	_ =	shalt  }
0x7c: {  	_ =	shalt  }
0x7d: {  	_ =	shalt  }
0x7e: {  	_ =	shalt  }
0x7f: {  	_ =	shalt  }
0x80: {  	_ =	shalt  }
0x81: {  	_ =	shalt  }
0x82: {  	_ =	shalt  }
0x83: {  	_ =	shalt  }
0x84: {  	_ =	shalt  }
0x85: {  	_ =	shalt  }
0x86: {  	_ =	shalt  }
0x87: {  	_ =	shalt  }
.Lfunc_end0:
.L_simem_size_0:
called_computation_lowered:
.L_overlay_start_0:
0x88: {  	s2 =	sld [smem:$0x3FD9]  }
0x89: {  	s3 =	sld [smem:$0x3FFE];
	_ =	sdelay $0x1  }
0x8a: {  	s1 =	srdreg.scid  }
0x8b: {  	s0 =	sand.u32 $0x1, s1  }
0x8c: {  	s18 =	sshll.u32 s0, $0xA;
	s2 =	sadd.s32 s3, s2  }
0x8d: {  	s2 =	sadd.s32 s2, s18  }
0x8e: {  	[smem:$0x3FC6] =	sst s2  }
0x8f: {  	_ = 	snop  }
0x90: {  	s2 =	sld [smem:$0x3FC9]  }
0x91: {  	s19 =	sld [smem:$0x3FC8]  }
0x92: {  	s4 =	sld [smem:$0x3FD0];
	(tm) =	ssettm $0x1  }
0x93: {  	s5 =	sld [smem:$0x3FFB];
	_ =	sdelay $0x3  }
0x94: {  	_ =	strace s5  }
0x95: {  	s5 =	sld [smem:$0x3FFC];
	_ =	sdelay $0x3  }
0x96: {  	_ =	strace s5  }
0x97: {  	s5 =	sld [smem:$0x3FFD];
	_ =	sdelay $0x3  }
0x98: {  	_ =	strace s5  }
0x99: {  	_ =	strace $0x8FFFFFFF  }
0x9a: {  	s20 =	sld [smem:$0x3FDB];
	_ =	sdelay $0x1  }
0x9b: {  	s6 =	simm.s32 $_scs_section_size  }
0x9c: {  	s7 =	simm.s32 $_size__tile_overlayer_lowered;
	s8 =	simm.s32 $_tile_overlayer_lowered  }
0x9d: {  	s23 =	simm.s32 $0x1BFF;
	s22 =	sshll.u32 s8, $0x1;
	s5 =	sadd.s32 s6, s20  }
0x9e: {  	s9 =	simm.s32 $0x0;
	s21 =	sshll.u32 s7, $0x1;
	s7 =	sadd.s32 s22, s5  }
0x9f: {  	[timem:s9], [sflag:s23] =	dma.local [hbm:s7], s21  }
0xa0: {  	_ =	swait.ge [sflag:s23], s21  }
0xa1: {  	s6 =	ssub.s32 $0x0, s21;
	[sflag:s23] =	ssyncset.done $0x0  }
0xa2: {  	[sflag:s23] =	ssyncadd.s32 s6;
	_ =	sdelay $0x1  }
0xa3: {  	s24 =	simm.s32 $0x1B8B  }
0xa4: {  	_ =	swait.ge [sflag:s24], $0x1  }
0xa5: {  	[sflag:s24] =	ssyncset.done $0x0  }
0xa6: {  	s25 =	simm.s32 $0x1B8E;
	[sflag:s24] =	ssyncadd.s32 $0xFFFFFFFF  }
0xa7: {  	s26 =	simm.s32 $execute0_lowered;
	[smem:$0x3FD2] =	sst s25  }
0xa8: {  	s6 =	sshll.u32 s26, $0x1;
	_ =	strace $0x80000046;
	[dreg:$0x1] =	wrdreg $0xFFFFFFFF  }
0xa9: {  	s28 =	simm.s32 $_size_execute0_lowered;
	s5 =	sadd.s32 s5, s6;
	[dreg:$0x0] =	wrdreg $0x0  }
0xaa: {  	s6 =	sshll.u32 s28, $0x1;
	[dreg:$0x2] =	wrdreg s5  }
0xab: {  	[dreg:$0x3] =	wrdreg s6  }
0xac: {  	[dreg:$0x4] =	wrdreg $0xC0  }
0xad: {  	_ =	task [dreg:s9], $0x5FFFF  }
0xae: {  	[dreg:$0x1] =	wrdreg $0xFFFFFFFF  }
0xaf: {  	[dreg:$0x0] =	wrdreg $0x60  }
0xb0: {  	[dreg:$0x2] =	wrdreg s2  }
0xb1: {  	[dreg:$0x3] =	wrdreg s19  }
0xb2: {  	[dreg:$0x4] =	wrdreg s4  }
0xb3: {  	[dreg:$0x5] =	wrdreg $0x9  }
0xb4: {  	_ =	task.clear_ibuf [dreg:s9], $0x6FFFF;
	_ =	strace $0x90000046  }
0xb5: {  	s29 =	simm.s32 $0x9;
	_ =	strace $0x80000048  }
0xb6: {  	_ =	swait.ge [sflag:s29], $0x1  }
0xb7: {  	[sflag:s29] =	ssyncadd.s32 $0xFFFFFFFF  }
0xb8: {  	_ =	strace $0x90000048  }
0xb9: {  	_ =	sfence  }
0xba: {  	s30 =	sld [smem:$0x0];
	_ =	sdelay $0x2  }
0xbb: {  	s31 =	sshll.u32 s1, $0xD;
	s1 =	sshrl.u32 s1, $0x2  }
0xbc: {  	s3 =	sand.u32 $0x4000, s31;
	s1 =	sadd.s32 s1, s30  }
0xbd: {  	s0 =	sor.u32 s3, s0;
	s1 =	sshll.u32 s1, $0x11  }
0xbe: {  	s0 =	sor.u32 s1, s0  }
0xbf: {  	s0 =	sadd.s32 $0x8F2B, s0  }
0xc0: {  	[sflag:s0] =	ssyncadd.remote.s32 $0x1  }
0xc1: {  	_ =	sfence.sel $0xFFFF  }
0xc2: {  	[dreg:$0x0] =	wrdreg $0xFFFFFFFF;
	(pc) =	sbr.abs _section_cstart, $3  }
0xc3: {  	[dreg:$0x1] =	wrdreg $0xFFFFFFFF  }
0xc4: {  	_ =	task.clear_ibuf [dreg:s9], $0x2FFFF;
	_ =	strace $0x9FFFFFFF  }
0xc5: {  	(tm) =	ssettm $0x7FFFFFFF  }
tec
execute0_lowered:
.L_overlay_start_1:
0x0: {  	(tag) =	ssettag $0x1  }
0x1: {  	s0 =	srdreg.scid  }
0x2: {  	s1 =	rddreg [dreg:$0x0];
	s2 =	stileid.u32;
	s0 =	sand.u32 $0x1, s0  }
0x3: {  	s4 =	rddreg [dreg:$0x2];
	s2 =	sshll.u32 s2, $0xA;
	s3 =	sshll.u32 s0, $0x9  }
0x4: {  	s5 =	simm.s32 $0x0;
	s17 =	simm.s32 $0x800;
	s6 =	sor.u32 s3, s2  }
0x5: {  	s18 =	simm.s32 $0x4800;
	s19 =	simm.s32 $0x8800;
	s3 =	sshll.u32 s6, $0x8  }
0x6: {  	[smem:$0x7FF] =	sst s5;
	s23 =	sshrl.u32 s6, $0x3;
	s7 =	sadd.s32 s1, s3  }
0x7: {  	_ =	strace $0x80000047;
	s26 =	sor.u32 $0x3, s23;
	[dreg:$0x4] =	wrdreg s7  }
0x8: {  	s21 =	simm.s32 $0x1;
	s28 =	sor.u32 $0x1, s23;
	[dreg:$0x7] =	wrdreg s26  }
0x9: {  	s0 =	ssub.s32 $0x2, s0;
	s29 =	sor.u32 $0x4, s23;
	[dreg:$0x8] =	wrdreg s28  }
0xa: {  	s22 =	sshrl.u32 s0, $0x1;
	s30 =	sor.u32 $0x2, s23;
	[dreg:$0x9] =	wrdreg s29  }
0xb: {  	s0 =	ssub.s32 s0, s22;
	s2 =	sor.u32 $0x5, s23;
	[dreg:$0xa] =	wrdreg s30  }
0xc: {  	s13 =	smov.u32 s6;
	s0 =	smax.u32 s0, $0x1;
	[dreg:$0xb] =	wrdreg s2  }
0xd: {  	s3 =	sadd.s32 s3, s4;
	s24 =	sadd.s32 $0x800, s7;
	[dreg:$0xd] =	wrdreg s0  }
0xe: {  	s23 =	simm.s32 $0x2;
	s25 =	sadd.s32 $0x1000, s7;
	[dreg:$0x5] =	wrdreg s24  }
0xf: {  	s31 =	sadd.s32 $0x1F800, s3;
	s26 =	simm.s32 $0x6;
	[dreg:$0x6] =	wrdreg s25  }
0x10: {  	s2 =	simm.s32 $0x0;
	[dreg:$0xc] =	wrdreg s31;
	s25 =	simm.s32 $0x3  }
.LBB2_1:
0x11: {  	[dreg:$0xe] =	wrdreg s2  }
0x12: {  	s0 =	rddreg [dreg:$0x4]  }
0x13: {  	[tilespmem:s17], [sflag:$0x1] =	stream.linear.gather [hbm4b:s0+s5], $0x4000, $0x38;
	[tilespmem:$0x18800] =	vst v63  }
0x14: {  	s28 =	rddreg [dreg:$0x5]  }
0x15: {  	[tilespmem:s18], [sflag:$0x2] =	stream.linear.gather [hbm4b:s28+s5], $0x4000, $0x38;
	[tilespmem:$0x18800] =	vst v63  }
0x16: {  	s29 =	rddreg [dreg:$0x6]  }
0x17: {  	[tilespmem:s19], [sflag:$0x3] =	stream.linear.gather [hbm4b:s29+s5], $0x4000, $0x38;
	[tilespmem:$0x18800] =	vst v63  }
0x18: {  	s30 =	rddreg [dreg:$0x1];
	s31 =	simm.s32 $0x7  }
0x19: {  	[tilespmem:s5], [sflag:$0x7] =	stream.linear.gather [hbm4b:s30+s5], $0x800, $0x38;
	[tilespmem:$0x18800] =	vst v63  }
0x1a: {  	_ =	swait.ge [sflag:s31], $0x800  }
0x1b: {  	[sflag:s31] =	ssyncset.done $0x0  }
0x1c: {  	s0 =	simm.s32 $0x0;
	[sflag:s31] =	ssyncadd.s32 $0xFFFFF800  }
.LBB2_2:
0x1d: {  	_ =	swait.ge [sflag:s21], $0x4000  }
0x1e: {  	p0 =	seq.s32 s0, $0x0;
	[sflag:s21] =	ssyncset.done $0x0  }
0x1f: {  	s3 =	simm.s32 $0x0;
	s2 =	simm.s32 @!p0 $0x4;
	[sflag:s21] =	ssyncadd.s32 $0xFFFFC000  }
0x20: {  	s16 =	sand.u32 $0x40, s3;
	_ =	swait.ge @!p0 [sflag:s2], $0x4000  }
0x21: {  	s9 =	sand.u32 $0x780, s3;
	s15 =	sor.u32 $0x10, s16;
	[sflag:s2] =	ssyncset.done @!p0 $0x0  }
0x22: {  	s20 =	sor.u32 s15, s9;
	[sflag:s2] =	ssyncadd.s32 @!p0 $0xFFFFC000  }
0x23: {  	v0 =	vld [tilespmem:s20+$0x0];
	_ =	sdelay $0x1  }
0x24: {  	s7 =	sor.u32 $0x30, s16  }
0x25: {  	s22 =	sor.u32 s7, s9  }
0x26: {  	v1 =	vld [tilespmem:s22+$0x0]  }
0x27: {  	v2 =	vshll.u32 v0, $0x3  }
0x28: {  	v0 =	vand.u32 $0x7F, v0;
	v2 =	vand.u32 $0xFFFFFC00, v2  }
0x29: {  	v17 =	vor.u32 v0, v2  }
0x2a: {  	s8 =	sor.u32 $0x20, s16;
	v2 =	vor.u32 $0x200, v17  }
0x2b: {  	s24 =	sor.u32 s8, s9;
	v0 =	vshll.u32 v1, $0x3;
	v3 =	vor.u32 $0x300, v17  }
0x2c: {  	v12 =	vld [tilespmem:s24+$0x0];
	v1 =	vand.u32 $0x7F, v1;
	v0 =	vand.u32 $0xFFFFFC00, v0;
	v6 =	vor.u32 $0x280, v17  }
0x2d: {  	v8 =	vor.u32 $0x100, v17;
	v19 =	vor.u32 v1, v0;
	v1 =	vld [tilespmem:s3+$0x0]  }
0x2e: {  	v23 =	vor.u32 $0x80, v17;
	v10 =	vld.idx.msk [tilespmem:v17+s17+$0x0], $0xffff  }
0x2f: {  	v0 =	vor.u32 $0x80, v19;
	v4 =	vld.idx.msk [tilespmem:v2+s17+$0x0], $0xffff  }
0x30: {  	v5 =	vld.idx.msk [tilespmem:v3+s17+$0x0], $0xffff  }
0x31: {  	v18 =	vor.u32 $0x100, v19;
	v7 =	vld.idx.msk [tilespmem:v6+s17+$0x0], $0xffff  }
0x32: {  	v2 =	vor.u32 $0x380, v19;
	v16 =	vld.idx.msk [tilespmem:v8+s17+$0x0], $0xffff  }
0x33: {  	v9 =	vor.u32 $0x300, v19;
	v25 =	vld.idx.msk [tilespmem:v23+s17+$0x0], $0xffff  }
0x34: {  	v3 =	vor.u32 $0x280, v19;
	v14 =	vld.idx.msk [tilespmem:v0+s17+$0x0], $0xffff;
	v0 =	vshll.u32 v1, $0x3  }
0x35: {  	v6 =	vor.u32 $0x200, v19;
	v15 =	vld.idx.msk [tilespmem:v19+s17+$0x0], $0xffff;
	v1 =	vand.u32 $0x7F, v1;
	v11 =	vand.u32 $0xFFFFFC00, v0  }
0x36: {  	v13 =	vor.u32 $0x380, v17;
	v24 =	vld.idx.msk [tilespmem:v18+s17+$0x0], $0xffff;
	v22 =	vor.u32 v1, v11  }
0x37: {  	v0 =	vld.idx.msk [tilespmem:v2+s17+$0x0], $0xffff;
	v1 =	vor.u32 $0x380, v22  }
0x38: {  	v2 =	vld.idx.msk [tilespmem:v9+s17+$0x0], $0xffff;
	v9 =	vor.u32 $0x100, v22  }
0x39: {  	v3 =	vld.idx.msk [tilespmem:v3+s17+$0x0], $0xffff;
	v20 =	vor.u32 $0x280, v22  }
0x3a: {  	v8 =	vor.u32 $0x200, v22;
	v11 =	vld.idx.msk [tilespmem:v6+s17+$0x0], $0xffff  }
0x3b: {  	v6 =	vld.idx.msk [tilespmem:v13+s17+$0x0], $0xffff;
	v21 =	vor.u32 $0x300, v22  }
0x3c: {  	v18 =	vor.u32 $0x180, v22;
	v1 =	vld.idx.msk [tilespmem:v1+s17+$0x0], $0xffff  }
0x3d: {  	v26 =	vor.u32 $0x80, v22;
	v27 =	vld.idx.msk [tilespmem:v9+s17+$0x0], $0xffff  }
0x3e: {  	v9 =	vld.idx.msk [tilespmem:v20+s17+$0x0], $0xffff;
	v20 =	vshll.u32 v12, $0x3  }
0x3f: {  	s28 =	smul.u32 $0x18, s0;
	p2 =	por $0x0, $0x0;
	s30 =	simm.s32 $0x40;
	v23 =	vor.u32 $0x180, v17;
	v13 =	vld.idx.msk [tilespmem:v8+s17+$0x0], $0xffff;
	v12 =	vand.u32 $0x7F, v12;
	v20 =	vand.u32 $0xFFFFFC00, v20  }
0x40: {  	s29 =	simm.s32 $0x200;
	s31 =	simm.s32 $0x40;
	s12 =	sand.u32 $0x3C00, s3;
	v8 =	vld.idx.msk [tilespmem:v21+s17+$0x0], $0xffff;
	v12 =	vor.u32 v12, v20;
	v20 =	vor.u32 $0x180, v19  }
0x41: {  	p1 =	por p2, p2;
	p2 =	por !p2, !p2;
	s12 =	sadd.s32 $0xC800, s12;
	v18 =	vld.idx.msk [tilespmem:v18+s17+$0x0], $0xffff  }
0x42: {  	s9 =	sadd.s32 s13, s28;
	s2 =	smul.u32 $0x3, s0;
	s20 =	simm.s32 $0x0;
	v26 =	vld.idx.msk [tilespmem:v26+s17+$0x0], $0xffff  }
.LBB2_3:
0x43: {  	s20 =	sadd.s32 $0x4, s20;
	v19 =	vld.idx.msk [tilespmem:v22+s17+$0x0], $0xffff;
	s22 =	sor.u32 s16, s12;
	s16 =	sand.u32 $0x40, s31  }
0x44: {  	s6 =	sand.u32 $0x780, s31;
	v17 =	vor.u32 $0x380, v12;
	s24 =	sor.u32 $0x10, s16;
	s10 =	sor.u32 $0x30, s16;
	[tilespmem:s22+$0x100] =	vst v27;
	v22 =	vld.idx.msk [tilespmem:v23+s17+$0x0], $0xffff  }
0x45: {  	v21 =	vor.u32 $0x300, v12;
	s14 =	sor.u32 s7, s12;
	s28 =	sor.u32 $0x20, s16;
	s11 =	sor.u32 s24, s6;
	v20 =	vld.idx.msk [tilespmem:v20+s17+$0x0], $0xffff  }
0x46: {  	p3 =	slt.u32 s20, $0x7C;
	v27 =	vor.u32 $0x280, v12;
	s7 =	sor.u32 s28, s6;
	s6 =	sor.u32 s10, s6;
	v23 =	vld [tilespmem:s11+$0x0]  }
0x47: {  	v29 =	vor.u32 $0x200, v12;
	v28 =	vld [tilespmem:s7+$0x0];
	[tilespmem:s14+$0x0] =	vst v15;
	s7 =	smov.u32 s10  }
0x48: {  	v15 =	vld [tilespmem:s6+$0x0];
	[tilespmem:s14+$0x80] =	vst v14  }
0x49: {  	v14 =	vor.u32 $0x100, v12;
	v17 =	vld.idx.msk [tilespmem:v17+s17+$0x0], $0xffff;
	[tilespmem:s14+$0x100] =	vst v24  }
0x4a: {  	s6 =	sor.u32 s15, s12;
	s15 =	smov.u32 s24;
	v24 =	vor.u32 $0x80, v12;
	[tilespmem:s22+$0x0] =	vst v19;
	v19 =	vld.idx.msk [tilespmem:v21+s17+$0x0], $0xffff  }
0x4b: {  	v30 =	vshll.u32 v23, $0x3;
	[tilespmem:s6+$0x100] =	vst v16;
	v16 =	vor.u32 $0x180, v12;
	v21 =	vld.idx.msk [tilespmem:v27+s17+$0x0], $0xffff  }
0x4c: {  	v23 =	vand.u32 $0x7F, v23;
	v27 =	vand.u32 $0xFFFFFC00, v30;
	v30 =	vshll.u32 v28, $0x3;
	[tilespmem:s6+$0x0] =	vst v10;
	v29 =	vld.idx.msk [tilespmem:v29+s17+$0x0], $0xffff  }
0x4d: {  	s10 =	simm.s32 $0x1;
	v23 =	vor.u32 v23, v27;
	v10 =	vand.u32 $0x7F, v15;
	v15 =	vshll.u32 v15, $0x3;
	[tilespmem:s22+$0x80] =	vst v26;
	v26 =	vld.idx.msk [tilespmem:v12+s17+$0x0], $0xffff  }
0x4e: {  	s10 =	simm.s32 @!p1 $0x0;
	p1 =	por p2, p2;
	v12 =	vand.u32 $0xFFFFFC00, v30;
	v27 =	vor.u32 $0x200, v23;
	v15 =	vand.u32 $0xFFFFFC00, v15;
	[tilespmem:s6+$0x80] =	vst v25;
	v25 =	vld.idx.msk [tilespmem:v14+s17+$0x0], $0xffff  }
0x4f: {  	s10 =	sshll.u32 s10, $0x6;
	v30 =	vor.u32 $0x80, v23;
	v14 =	vand.u32 $0x7F, v28;
	v28 =	vor.u32 v10, v15;
	[tilespmem:s6+$0x180] =	vst v22;
	v22 =	vld.idx.msk [tilespmem:v24+s17+$0x0], $0xffff  }
0x50: {  	s24 =	sadd.s32 s10, s3;
	s3 =	smov.u32 s29;
	v31 =	vor.u32 $0x280, v23;
	v32 =	vor.u32 $0x380, v23;
	v24 =	vld [tilespmem:s30+$0x0];
	v33 =	vor.u32 $0x80, v28;
	[tilespmem:s14+$0x180] =	vst v20  }
0x51: {  	s10 =	sadd.s32 $0x10, s24;
	v34 =	vor.u32 $0x300, v23;
	v12 =	vor.u32 v14, v12;
	s6 =	sor.u32 $0x200, s24;
	v35 =	vor.u32 $0x100, v28;
	s14 =	sadd.s32 $0x30, s24;
	[tilespmem:s22+$0x180] =	vst v18;
	v18 =	vld.idx.msk [tilespmem:v16+s17+$0x0], $0xffff  }
0x52: {  	v20 =	vor.u32 $0x180, v28;
	s22 =	sadd.s32 $0x20, s24;
	v10 =	vld.idx.msk [tilespmem:v23+s17+$0x0], $0xffff;
	[tilespmem:s6+$0xC800] =	vst v13;
	s6 =	sor.u32 $0x200, s14  }
0x53: {  	s11 =	sor.u32 s8, s12;
	s8 =	smov.u32 s28;
	v16 =	vor.u32 $0x380, v28;
	v13 =	vor.u32 $0x100, v23;
	v27 =	vld.idx.msk [tilespmem:v27+s17+$0x0], $0xffff;
	[tilespmem:s6+$0xC800] =	vst v11  }
0x54: {  	v23 =	vor.u32 $0x180, v23;
	v15 =	vld.idx.msk [tilespmem:v28+s17+$0x0], $0xffff;
	[tilespmem:s11+$0x0] =	vst v26  }
0x55: {  	v26 =	vor.u32 $0x300, v28;
	v11 =	vshll.u32 v24, $0x3;
	v14 =	vld.idx.msk [tilespmem:v33+s17+$0x0], $0xffff;
	[tilespmem:s11+$0x80] =	vst v22  }
0x56: {  	s6 =	sor.u32 $0x200, s10;
	v22 =	vand.u32 $0x7F, v24;
	v33 =	vor.u32 $0x280, v28;
	v11 =	vand.u32 $0xFFFFFC00, v11;
	v24 =	vld.idx.msk [tilespmem:v34+s17+$0x0], $0xffff;
	[tilespmem:s11+$0x100] =	vst v25  }
0x57: {  	v22 =	vor.u32 v22, v11;
	v25 =	vld.idx.msk [tilespmem:v31+s17+$0x0], $0xffff;
	v11 =	vor.u32 $0x200, v28;
	[tilespmem:s6+$0xC800] =	vst v4;
	s6 =	sor.u32 $0x280, s10  }
0x58: {  	v28 =	vor.u32 $0x80, v22;
	v31 =	vor.u32 $0x180, v22;
	v34 =	vor.u32 $0x380, v22;
	v36 =	vld.idx.msk [tilespmem:v16+s17+$0x0], $0xffff;
	[tilespmem:s6+$0xC800] =	vst v7;
	s6 =	sor.u32 $0x300, s10  }
0x59: {  	v37 =	vor.u32 $0x100, v22;
	v38 =	vor.u32 $0x200, v22;
	v4 =	vmov v27;
	v16 =	vld.idx.msk [tilespmem:v13+s17+$0x0], $0xffff;
	[tilespmem:s6+$0xC800] =	vst v5;
	s6 =	sor.u32 $0x380, s10  }
0x5a: {  	v26 =	vld.idx.msk [tilespmem:v26+s17+$0x0], $0xffff;
	[tilespmem:s6+$0xC800] =	vst v6;
	s6 =	sor.u32 $0x280, s14  }
0x5b: {  	s10 =	sor.u32 $0x280, s24;
	[tilespmem:s6+$0xC800] =	vst v3;
	v3 =	vld.idx.msk [tilespmem:v33+s17+$0x0], $0xffff  }
0x5c: {  	v5 =	vmov v24;
	v11 =	vld.idx.msk [tilespmem:v11+s17+$0x0], $0xffff;
	[tilespmem:s10+$0xC800] =	vst v9  }
0x5d: {  	s6 =	sor.u32 $0x200, s22;
	v9 =	vor.u32 $0x280, v22;
	v7 =	vmov v25;
	v6 =	vld.idx.msk [tilespmem:v32+s17+$0x0], $0xffff;
	[tilespmem:s11+$0x180] =	vst v18  }
0x5e: {  	v18 =	vor.u32 $0x300, v22;
	v24 =	vld.idx.msk [tilespmem:v35+s17+$0x0], $0xffff;
	[tilespmem:s6+$0xC800] =	vst v29;
	s6 =	sor.u32 $0x300, s14  }
0x5f: {  	s10 =	sor.u32 $0x300, s24;
	v29 =	vld.idx.msk [tilespmem:v34+s17+$0x0], $0xffff;
	[tilespmem:s6+$0xC800] =	vst v2  }
0x60: {  	s6 =	sor.u32 $0x380, s14;
	v2 =	vmov v26;
	v13 =	vld.idx.msk [tilespmem:v38+s17+$0x0], $0xffff;
	[tilespmem:s10+$0xC800] =	vst v8  }
0x61: {  	s10 =	sor.u32 $0x280, s22;
	v27 =	vld.idx.msk [tilespmem:v37+s17+$0x0], $0xffff;
	[tilespmem:s6+$0xC800] =	vst v0;
	v0 =	vmov v36  }
.Ltmp0:
0x62: {  	s6 =	sor.u32 $0x300, s22;
	v9 =	vld.idx.msk [tilespmem:v9+s17+$0x0], $0xffff;
	[tilespmem:s10+$0xC800] =	vst v21;
	(pc) =	sbr.rel @p3 .LBB2_3-.Ltmp0, $4  }
0x63: {  	s10 =	sor.u32 $0x380, s24;
	v8 =	vld.idx.msk [tilespmem:v18+s17+$0x0], $0xffff;
	[tilespmem:s6+$0xC800] =	vst v19;
	s6 =	sor.u32 $0x380, s22  }
0x64: {  	v18 =	vld.idx.msk [tilespmem:v31+s17+$0x0], $0xffff;
	[tilespmem:s6+$0xC800] =	vst v17  }
0x65: {  	p2 =	por !p2, !p2;
	s30 =	sadd.s32 $0x40, s30;
	s6 =	sand.u32 $0x3C00, s29;
	v25 =	vld.idx.msk [tilespmem:v30+s17+$0x0], $0xffff;
	[tilespmem:s10+$0xC800] =	vst v1;
	v1 =	vmov v29  }
0x66: {  	s31 =	sadd.s32 $0x40, s31;
	s29 =	sadd.s32 $0x200, s29;
	s12 =	sadd.s32 $0xC800, s6;
	v26 =	vld.idx.msk [tilespmem:v28+s17+$0x0], $0xffff  }
0x67: {  	_ =	sdelay $0x2  }
0x68: {  	s6 =	sor.u32 s16, s12  }
0x69: {  	v17 =	vld.idx.msk [tilespmem:v22+s17+$0x0], $0xffff;
	s7 =	sor.u32 s7, s12;
	[tilespmem:s6+$0x100] =	vst v27  }
0x6a: {  	v19 =	vld.idx.msk [tilespmem:v20+s17+$0x0], $0xffff;
	[tilespmem:s7+$0x0] =	vst v15  }
0x6b: {  	[tilespmem:s7+$0x80] =	vst v14  }
0x6c: {  	s10 =	sor.u32 s15, s12;
	[tilespmem:s7+$0x100] =	vst v24  }
0x6d: {  	v21 =	vld.idx.msk [tilespmem:v23+s17+$0x0], $0xffff;
	[tilespmem:s10+$0x100] =	vst v16  }
0x6e: {  	[tilespmem:s10+$0x0] =	vst v10  }
0x6f: {  	[tilespmem:s6+$0x180] =	vst v18  }
0x70: {  	s11 =	simm.s32 $0x1;
	[tilespmem:s10+$0x80] =	vst v25  }
0x71: {  	s11 =	simm.s32 @!p1 $0x0;
	[tilespmem:s6+$0x80] =	vst v26  }
0x72: {  	s11 =	sshll.u32 s11, $0x6;
	[tilespmem:s6+$0x0] =	vst v17  }
0x73: {  	s3 =	sadd.s32 s11, s3;
	[tilespmem:s10+$0x180] =	vst v21  }
0x74: {  	v20 =	vor.u32 $0x380, v12;
	s31 =	sor.u32 $0x200, s3;
	s11 =	sadd.s32 $0x10, s3;
	[tilespmem:s7+$0x180] =	vst v19  }
0x75: {  	s8 =	sor.u32 s8, s12;
	s7 =	sadd.s32 $0x30, s3;
	s12 =	sor.u32 $0x200, s11;
	[tilespmem:s31+$0xC800] =	vst v13  }
0x76: {  	v15 =	vor.u32 $0x300, v12;
	s10 =	sor.u32 $0x200, s7;
	[tilespmem:s12+$0xC800] =	vst v4  }
0x77: {  	v14 =	vor.u32 $0x280, v12;
	s14 =	sor.u32 $0x280, s11;
	[tilespmem:s10+$0xC800] =	vst v11  }
0x78: {  	v16 =	vor.u32 $0x100, v12;
	s20 =	sor.u32 $0x280, s3;
	[tilespmem:s14+$0xC800] =	vst v7  }
0x79: {  	v22 =	vor.u32 $0x180, v12;
	v20 =	vld.idx.msk [tilespmem:v20+s17+$0x0], $0xffff;
	s15 =	sor.u32 $0x300, s11;
	[tilespmem:s20+$0xC800] =	vst v9  }
0x7a: {  	v10 =	vor.u32 $0x200, v12;
	v17 =	vor.u32 $0x80, v12;
	v12 =	vld.idx.msk [tilespmem:v12+s17+$0x0], $0xffff;
	s16 =	sor.u32 $0x280, s7;
	[tilespmem:s15+$0xC800] =	vst v5  }
0x7b: {  	v15 =	vld.idx.msk [tilespmem:v15+s17+$0x0], $0xffff;
	s31 =	sor.u32 $0x300, s3;
	[tilespmem:s16+$0xC800] =	vst v3  }
0x7c: {  	s6 =	sor.u32 $0x380, s11;
	v14 =	vld.idx.msk [tilespmem:v14+s17+$0x0], $0xffff;
	[tilespmem:s31+$0xC800] =	vst v8  }
0x7d: {  	v16 =	vld.idx.msk [tilespmem:v16+s17+$0x0], $0xffff;
	s28 =	sor.u32 $0x300, s7;
	[tilespmem:s6+$0xC800] =	vst v6  }
0x7e: {  	s22 =	sadd.s32 $0x20, s3;
	v13 =	vld.idx.msk [tilespmem:v22+s17+$0x0], $0xffff;
	s3 =	sor.u32 $0x380, s3;
	[tilespmem:s28+$0xC800] =	vst v2  }
0x7f: {  	[tilespmem:s3+$0xC800] =	vst v1;
	v17 =	vld.idx.msk [tilespmem:v17+s17+$0x0], $0xffff  }
0x80: {  	v10 =	vld.idx.msk [tilespmem:v10+s17+$0x0], $0xffff;
	s7 =	sor.u32 $0x380, s7;
	[tilespmem:s8+$0x0] =	vst v12  }
0x81: {  	[tilespmem:s7+$0xC800] =	vst v0  }
0x82: {  	[tilespmem:s8+$0x100] =	vst v16  }
0x83: {  	[tilespmem:s8+$0x180] =	vst v13  }
0x84: {  	s24 =	sor.u32 $0x200, s22;
	[tilespmem:s8+$0x80] =	vst v17  }
0x85: {  	s10 =	sor.u32 $0x280, s22;
	[tilespmem:s24+$0xC800] =	vst v10  }
0x86: {  	s11 =	sor.u32 $0x300, s22;
	[tilespmem:s10+$0xC800] =	vst v14  }
0x87: {  	s12 =	sshll.u32 s9, $0x8;
	s6 =	sor.u32 $0x380, s22;
	[tilespmem:s11+$0xC800] =	vst v15  }
0x88: {  	s14 =	sadd.s32 s4, s12;
	s15 =	simm.s32 $0xC800;
	[tilespmem:s6+$0xC800] =	vst v20  }
0x89: {  	[hbm4b:s14+s5] =	stream.linear.scatter [tilespmem:s15], [sflag:$0x4], $0x4000, $0x38;
	[tilespmem:$0x18800] =	vst v63  }
0x8a: {  	s16 =	rddreg [dreg:$0x7]  }
0x8b: {  	s3 =	sadd.s32 s2, s16  }
0x8c: {  	s3 =	sshll.u32 s3, $0xB  }
0x8d: {  	s3 =	sadd.s32 s1, s3  }
0x8e: {  	[tilespmem:s17], [sflag:$0x1] =	stream.linear.gather [hbm4b:s3+s5], $0x4000, $0x38;
	[tilespmem:$0x18800] =	vst v63  }
0x8f: {  	_ =	swait.ge [sflag:s23], $0x4000  }
0x90: {  	[sflag:s23] =	ssyncset.done $0x0  }
0x91: {  	s6 =	simm.s32 @!p0 $0x5;
	s3 =	simm.s32 $0x0;
	[sflag:s23] =	ssyncadd.s32 $0xFFFFC000  }
0x92: {  	s15 =	sand.u32 $0x40, s3;
	_ =	swait.ge @!p0 [sflag:s6], $0x4000  }
0x93: {  	s20 =	sand.u32 $0x780, s3;
	s9 =	sor.u32 $0x10, s15;
	[sflag:s6] =	ssyncset.done @!p0 $0x0  }
0x94: {  	s22 =	sor.u32 s9, s20;
	[sflag:s6] =	ssyncadd.s32 @!p0 $0xFFFFC000  }
0x95: {  	v0 =	vld [tilespmem:s22+$0x0];
	_ =	sdelay $0x1  }
0x96: {  	s7 =	sor.u32 $0x30, s15  }
0x97: {  	s24 =	sor.u32 s7, s20  }
0x98: {  	v1 =	vld [tilespmem:s24+$0x0]  }
0x99: {  	v2 =	vshll.u32 v0, $0x3  }
0x9a: {  	v0 =	vand.u32 $0x7F, v0;
	v2 =	vand.u32 $0xFFFFFC00, v2  }
0x9b: {  	v17 =	vor.u32 v0, v2  }
0x9c: {  	s8 =	sor.u32 $0x20, s15;
	v2 =	vor.u32 $0x200, v17  }
0x9d: {  	s28 =	sor.u32 s8, s20;
	v0 =	vshll.u32 v1, $0x3;
	v3 =	vor.u32 $0x300, v17  }
0x9e: {  	v12 =	vld [tilespmem:s28+$0x0];
	v1 =	vand.u32 $0x7F, v1;
	v0 =	vand.u32 $0xFFFFFC00, v0;
	v6 =	vor.u32 $0x280, v17  }
0x9f: {  	v7 =	vor.u32 $0x100, v17;
	v19 =	vor.u32 v1, v0;
	v1 =	vld [tilespmem:s3+$0x0]  }
0xa0: {  	v22 =	vor.u32 $0x80, v17;
	v10 =	vld.idx.msk [tilespmem:v17+s18+$0x0], $0xffff  }
0xa1: {  	v0 =	vor.u32 $0x80, v19;
	v4 =	vld.idx.msk [tilespmem:v2+s18+$0x0], $0xffff  }
0xa2: {  	v5 =	vld.idx.msk [tilespmem:v3+s18+$0x0], $0xffff  }
0xa3: {  	v18 =	vor.u32 $0x100, v19;
	v8 =	vld.idx.msk [tilespmem:v6+s18+$0x0], $0xffff  }
0xa4: {  	v2 =	vor.u32 $0x380, v19;
	v16 =	vld.idx.msk [tilespmem:v7+s18+$0x0], $0xffff  }
0xa5: {  	v9 =	vor.u32 $0x300, v19;
	v25 =	vld.idx.msk [tilespmem:v22+s18+$0x0], $0xffff  }
0xa6: {  	v3 =	vor.u32 $0x280, v19;
	v14 =	vld.idx.msk [tilespmem:v0+s18+$0x0], $0xffff;
	v0 =	vshll.u32 v1, $0x3  }
0xa7: {  	v6 =	vor.u32 $0x200, v19;
	v15 =	vld.idx.msk [tilespmem:v19+s18+$0x0], $0xffff;
	v1 =	vand.u32 $0x7F, v1;
	v11 =	vand.u32 $0xFFFFFC00, v0  }
0xa8: {  	v13 =	vor.u32 $0x380, v17;
	v24 =	vld.idx.msk [tilespmem:v18+s18+$0x0], $0xffff;
	v23 =	vor.u32 v1, v11  }
0xa9: {  	v0 =	vld.idx.msk [tilespmem:v2+s18+$0x0], $0xffff;
	v1 =	vor.u32 $0x380, v23  }
0xaa: {  	v2 =	vld.idx.msk [tilespmem:v9+s18+$0x0], $0xffff;
	v9 =	vor.u32 $0x100, v23  }
0xab: {  	v3 =	vld.idx.msk [tilespmem:v3+s18+$0x0], $0xffff;
	v20 =	vor.u32 $0x280, v23  }
0xac: {  	v7 =	vor.u32 $0x200, v23;
	v11 =	vld.idx.msk [tilespmem:v6+s18+$0x0], $0xffff  }
0xad: {  	v6 =	vld.idx.msk [tilespmem:v13+s18+$0x0], $0xffff;
	v21 =	vor.u32 $0x300, v23  }
0xae: {  	v18 =	vor.u32 $0x180, v23;
	v1 =	vld.idx.msk [tilespmem:v1+s18+$0x0], $0xffff  }
0xaf: {  	v26 =	vor.u32 $0x80, v23;
	v27 =	vld.idx.msk [tilespmem:v9+s18+$0x0], $0xffff  }
0xb0: {  	v9 =	vld.idx.msk [tilespmem:v20+s18+$0x0], $0xffff;
	v20 =	vshll.u32 v12, $0x3  }
0xb1: {  	v22 =	vor.u32 $0x180, v17;
	v13 =	vld.idx.msk [tilespmem:v7+s18+$0x0], $0xffff;
	v12 =	vand.u32 $0x7F, v12;
	v20 =	vand.u32 $0xFFFFFC00, v20  }
0xb2: {  	p2 =	por $0x0, $0x0;
	s29 =	simm.s32 $0x200;
	s30 =	simm.s32 $0x40;
	v7 =	vld.idx.msk [tilespmem:v21+s18+$0x0], $0xffff;
	v12 =	vor.u32 v12, v20;
	v20 =	vor.u32 $0x180, v19  }
0xb3: {  	p1 =	por p2, p2;
	p2 =	por !p2, !p2;
	s31 =	sand.u32 $0x3C00, s3;
	v18 =	vld.idx.msk [tilespmem:v18+s18+$0x0], $0xffff  }
0xb4: {  	s16 =	simm.s32 $0x0;
	s12 =	sadd.s32 $0x10800, s31;
	s20 =	simm.s32 $0x40;
	v26 =	vld.idx.msk [tilespmem:v26+s18+$0x0], $0xffff  }
.LBB2_5:
0xb5: {  	s16 =	sadd.s32 $0x4, s16;
	v19 =	vld.idx.msk [tilespmem:v23+s18+$0x0], $0xffff;
	s28 =	sor.u32 s15, s12;
	s15 =	sand.u32 $0x40, s30  }
0xb6: {  	s10 =	sand.u32 $0x780, s30;
	v17 =	vor.u32 $0x380, v12;
	s6 =	sor.u32 $0x10, s15;
	s11 =	sor.u32 $0x30, s15;
	[tilespmem:s28+$0x100] =	vst v27;
	v22 =	vld.idx.msk [tilespmem:v22+s18+$0x0], $0xffff  }
0xb7: {  	v21 =	vor.u32 $0x300, v12;
	s14 =	sor.u32 s7, s12;
	s22 =	sor.u32 $0x20, s15;
	s24 =	sor.u32 s6, s10;
	v20 =	vld.idx.msk [tilespmem:v20+s18+$0x0], $0xffff  }
0xb8: {  	p3 =	slt.u32 s16, $0x7C;
	v27 =	vor.u32 $0x280, v12;
	s7 =	sor.u32 s22, s10;
	s10 =	sor.u32 s11, s10;
	v23 =	vld [tilespmem:s24+$0x0]  }
0xb9: {  	v29 =	vor.u32 $0x200, v12;
	v28 =	vld [tilespmem:s7+$0x0];
	[tilespmem:s14+$0x0] =	vst v15;
	s7 =	smov.u32 s11  }
0xba: {  	v15 =	vld [tilespmem:s10+$0x0];
	[tilespmem:s14+$0x80] =	vst v14  }
0xbb: {  	v14 =	vor.u32 $0x100, v12;
	v17 =	vld.idx.msk [tilespmem:v17+s18+$0x0], $0xffff;
	[tilespmem:s14+$0x100] =	vst v24  }
0xbc: {  	s10 =	sor.u32 s9, s12;
	s9 =	smov.u32 s6;
	v24 =	vor.u32 $0x80, v12;
	[tilespmem:s28+$0x0] =	vst v19;
	v19 =	vld.idx.msk [tilespmem:v21+s18+$0x0], $0xffff  }
0xbd: {  	v30 =	vshll.u32 v23, $0x3;
	[tilespmem:s10+$0x100] =	vst v16;
	v16 =	vor.u32 $0x180, v12;
	v21 =	vld.idx.msk [tilespmem:v27+s18+$0x0], $0xffff  }
0xbe: {  	v23 =	vand.u32 $0x7F, v23;
	v27 =	vand.u32 $0xFFFFFC00, v30;
	v30 =	vshll.u32 v28, $0x3;
	[tilespmem:s10+$0x0] =	vst v10;
	v29 =	vld.idx.msk [tilespmem:v29+s18+$0x0], $0xffff  }
0xbf: {  	s6 =	simm.s32 $0x1;
	v23 =	vor.u32 v23, v27;
	v10 =	vand.u32 $0x7F, v15;
	v15 =	vshll.u32 v15, $0x3;
	[tilespmem:s28+$0x80] =	vst v26;
	v26 =	vld.idx.msk [tilespmem:v12+s18+$0x0], $0xffff  }
0xc0: {  	s6 =	simm.s32 @!p1 $0x0;
	p1 =	por p2, p2;
	v12 =	vand.u32 $0xFFFFFC00, v30;
	v27 =	vor.u32 $0x200, v23;
	v15 =	vand.u32 $0xFFFFFC00, v15;
	[tilespmem:s10+$0x80] =	vst v25;
	v25 =	vld.idx.msk [tilespmem:v14+s18+$0x0], $0xffff  }
0xc1: {  	s6 =	sshll.u32 s6, $0x6;
	v30 =	vor.u32 $0x80, v23;
	v14 =	vand.u32 $0x7F, v28;
	v28 =	vor.u32 v10, v15;
	[tilespmem:s10+$0x180] =	vst v22;
	v24 =	vld.idx.msk [tilespmem:v24+s18+$0x0], $0xffff  }
0xc2: {  	s24 =	sadd.s32 s6, s3;
	s3 =	smov.u32 s29;
	v32 =	vor.u32 $0x280, v23;
	v33 =	vor.u32 $0x380, v23;
	v31 =	vld [tilespmem:s20+$0x0];
	v34 =	vor.u32 $0x80, v28;
	[tilespmem:s14+$0x180] =	vst v20  }
0xc3: {  	s6 =	sor.u32 $0x200, s24;
	v35 =	vor.u32 $0x300, v23;
	v12 =	vor.u32 v14, v12;
	s10 =	sadd.s32 $0x10, s24;
	v36 =	vor.u32 $0x100, v28;
	s14 =	sadd.s32 $0x30, s24;
	[tilespmem:s28+$0x180] =	vst v18;
	v18 =	vld.idx.msk [tilespmem:v16+s18+$0x0], $0xffff  }
0xc4: {  	v20 =	vor.u32 $0x180, v28;
	s28 =	sadd.s32 $0x20, s24;
	v10 =	vld.idx.msk [tilespmem:v23+s18+$0x0], $0xffff;
	[tilespmem:s6+$0x10800] =	vst v13;
	s6 =	sor.u32 $0x200, s14  }
0xc5: {  	s11 =	sor.u32 s8, s12;
	s8 =	smov.u32 s22;
	v16 =	vor.u32 $0x380, v28;
	v13 =	vor.u32 $0x100, v23;
	v27 =	vld.idx.msk [tilespmem:v27+s18+$0x0], $0xffff;
	[tilespmem:s6+$0x10800] =	vst v11  }
0xc6: {  	v22 =	vor.u32 $0x180, v23;
	v15 =	vld.idx.msk [tilespmem:v28+s18+$0x0], $0xffff;
	[tilespmem:s11+$0x0] =	vst v26  }
0xc7: {  	v26 =	vor.u32 $0x300, v28;
	v11 =	vshll.u32 v31, $0x3;
	v14 =	vld.idx.msk [tilespmem:v34+s18+$0x0], $0xffff;
	[tilespmem:s11+$0x80] =	vst v24  }
0xc8: {  	s6 =	sor.u32 $0x200, s10;
	v23 =	vand.u32 $0x7F, v31;
	v31 =	vor.u32 $0x280, v28;
	v11 =	vand.u32 $0xFFFFFC00, v11;
	v24 =	vld.idx.msk [tilespmem:v35+s18+$0x0], $0xffff;
	[tilespmem:s11+$0x100] =	vst v25  }
0xc9: {  	v23 =	vor.u32 v23, v11;
	v25 =	vld.idx.msk [tilespmem:v32+s18+$0x0], $0xffff;
	v11 =	vor.u32 $0x200, v28;
	[tilespmem:s6+$0x10800] =	vst v4;
	s6 =	sor.u32 $0x280, s10  }
0xca: {  	v28 =	vor.u32 $0x80, v23;
	v32 =	vor.u32 $0x180, v23;
	v34 =	vor.u32 $0x380, v23;
	v35 =	vld.idx.msk [tilespmem:v16+s18+$0x0], $0xffff;
	[tilespmem:s6+$0x10800] =	vst v8;
	s6 =	sor.u32 $0x300, s10  }
0xcb: {  	v37 =	vor.u32 $0x100, v23;
	v38 =	vor.u32 $0x200, v23;
	v4 =	vmov v27;
	v16 =	vld.idx.msk [tilespmem:v13+s18+$0x0], $0xffff;
	[tilespmem:s6+$0x10800] =	vst v5;
	s6 =	sor.u32 $0x380, s10  }
0xcc: {  	v26 =	vld.idx.msk [tilespmem:v26+s18+$0x0], $0xffff;
	[tilespmem:s6+$0x10800] =	vst v6;
	s6 =	sor.u32 $0x280, s14  }
0xcd: {  	s10 =	sor.u32 $0x280, s24;
	[tilespmem:s6+$0x10800] =	vst v3;
	v3 =	vld.idx.msk [tilespmem:v31+s18+$0x0], $0xffff  }
0xce: {  	v5 =	vmov v24;
	v11 =	vld.idx.msk [tilespmem:v11+s18+$0x0], $0xffff;
	[tilespmem:s10+$0x10800] =	vst v9  }
0xcf: {  	s6 =	sor.u32 $0x200, s28;
	v9 =	vor.u32 $0x280, v23;
	v8 =	vmov v25;
	v6 =	vld.idx.msk [tilespmem:v33+s18+$0x0], $0xffff;
	[tilespmem:s11+$0x180] =	vst v18  }
0xd0: {  	v18 =	vor.u32 $0x300, v23;
	v24 =	vld.idx.msk [tilespmem:v36+s18+$0x0], $0xffff;
	[tilespmem:s6+$0x10800] =	vst v29;
	s6 =	sor.u32 $0x300, s14  }
0xd1: {  	s10 =	sor.u32 $0x300, s24;
	v29 =	vld.idx.msk [tilespmem:v34+s18+$0x0], $0xffff;
	[tilespmem:s6+$0x10800] =	vst v2  }
0xd2: {  	s6 =	sor.u32 $0x380, s14;
	v2 =	vmov v26;
	v13 =	vld.idx.msk [tilespmem:v38+s18+$0x0], $0xffff;
	[tilespmem:s10+$0x10800] =	vst v7  }
0xd3: {  	s10 =	sor.u32 $0x280, s28;
	v27 =	vld.idx.msk [tilespmem:v37+s18+$0x0], $0xffff;
	[tilespmem:s6+$0x10800] =	vst v0;
	v0 =	vmov v35  }
.Ltmp1:
0xd4: {  	s6 =	sor.u32 $0x300, s28;
	v9 =	vld.idx.msk [tilespmem:v9+s18+$0x0], $0xffff;
	[tilespmem:s10+$0x10800] =	vst v21;
	(pc) =	sbr.rel @p3 .LBB2_5-.Ltmp1, $4  }
0xd5: {  	s10 =	sor.u32 $0x380, s24;
	v7 =	vld.idx.msk [tilespmem:v18+s18+$0x0], $0xffff;
	[tilespmem:s6+$0x10800] =	vst v19;
	s6 =	sor.u32 $0x380, s28  }
0xd6: {  	v18 =	vld.idx.msk [tilespmem:v32+s18+$0x0], $0xffff;
	[tilespmem:s6+$0x10800] =	vst v17  }
0xd7: {  	p2 =	por !p2, !p2;
	s20 =	sadd.s32 $0x40, s20;
	s6 =	sand.u32 $0x3C00, s29;
	v25 =	vld.idx.msk [tilespmem:v30+s18+$0x0], $0xffff;
	[tilespmem:s10+$0x10800] =	vst v1;
	v1 =	vmov v29  }
0xd8: {  	s30 =	sadd.s32 $0x40, s30;
	s29 =	sadd.s32 $0x200, s29;
	s12 =	sadd.s32 $0x10800, s6;
	v26 =	vld.idx.msk [tilespmem:v28+s18+$0x0], $0xffff  }
0xd9: {  	_ =	sdelay $0x2  }
0xda: {  	s6 =	sor.u32 s15, s12  }
0xdb: {  	v17 =	vld.idx.msk [tilespmem:v23+s18+$0x0], $0xffff;
	s7 =	sor.u32 s7, s12;
	[tilespmem:s6+$0x100] =	vst v27  }
0xdc: {  	v19 =	vld.idx.msk [tilespmem:v20+s18+$0x0], $0xffff;
	v55 =	vor.u32 $0x380, v12;
	[tilespmem:s7+$0x0] =	vst v15  }
0xdd: {  	v56 =	vor.u32 $0x300, v12;
	[tilespmem:s7+$0x80] =	vst v14  }
0xde: {  	v57 =	vor.u32 $0x280, v12;
	s9 =	sor.u32 s9, s12;
	[tilespmem:s7+$0x100] =	vst v24  }
0xdf: {  	v21 =	vld.idx.msk [tilespmem:v22+s18+$0x0], $0xffff;
	v58 =	vor.u32 $0x80, v12;
	[tilespmem:s9+$0x100] =	vst v16  }
0xe0: {  	v59 =	vor.u32 $0x100, v12;
	v62 =	vld.idx.msk [tilespmem:v12+s18+$0x0], $0xffff;
	[tilespmem:s9+$0x0] =	vst v10  }
0xe1: {  	v60 =	vor.u32 $0x200, v12;
	[tilespmem:s6+$0x180] =	vst v18;
	v20 =	vld.idx.msk [tilespmem:v55+s18+$0x0], $0xffff  }
0xe2: {  	v61 =	vor.u32 $0x180, v12;
	[tilespmem:s9+$0x80] =	vst v25;
	v15 =	vld.idx.msk [tilespmem:v56+s18+$0x0], $0xffff  }
0xe3: {  	s10 =	simm.s32 $0x1;
	[tilespmem:s6+$0x80] =	vst v26;
	v14 =	vld.idx.msk [tilespmem:v57+s18+$0x0], $0xffff  }
0xe4: {  	s10 =	simm.s32 @!p1 $0x0;
	[tilespmem:s6+$0x0] =	vst v17;
	v17 =	vld.idx.msk [tilespmem:v58+s18+$0x0], $0xffff  }
0xe5: {  	s10 =	sshll.u32 s10, $0x6;
	[tilespmem:s9+$0x180] =	vst v21;
	v16 =	vld.idx.msk [tilespmem:v59+s18+$0x0], $0xffff  }
0xe6: {  	s8 =	sor.u32 s8, s12;
	s3 =	sadd.s32 s10, s3;
	[tilespmem:s7+$0x180] =	vst v19;
	v10 =	vld.idx.msk [tilespmem:v60+s18+$0x0], $0xffff  }
0xe7: {  	s24 =	sor.u32 $0x200, s3;
	s28 =	sadd.s32 $0x30, s3;
	v63 =	vld.idx.msk [tilespmem:v61+s18+$0x0], $0xffff;
	[tilespmem:s8+$0x0] =	vst v62  }
0xe8: {  	s30 =	sadd.s32 $0x10, s3;
	s29 =	sor.u32 $0x200, s28;
	[tilespmem:s24+$0x10800] =	vst v13  }
0xe9: {  	s31 =	sor.u32 $0x200, s30;
	[tilespmem:s29+$0x10800] =	vst v11  }
0xea: {  	s10 =	sor.u32 $0x280, s30;
	[tilespmem:s31+$0x10800] =	vst v4  }
0xeb: {  	s12 =	sor.u32 $0x280, s28;
	[tilespmem:s10+$0x10800] =	vst v8  }
0xec: {  	s14 =	sor.u32 $0x280, s3;
	[tilespmem:s12+$0x10800] =	vst v3  }
0xed: {  	s11 =	sor.u32 $0x300, s30;
	[tilespmem:s14+$0x10800] =	vst v9  }
0xee: {  	s20 =	sor.u32 $0x300, s28;
	[tilespmem:s11+$0x10800] =	vst v5  }
0xef: {  	s22 =	sor.u32 $0x300, s3;
	[tilespmem:s20+$0x10800] =	vst v2  }
0xf0: {  	s6 =	sor.u32 $0x380, s30;
	[tilespmem:s22+$0x10800] =	vst v7  }
0xf1: {  	s7 =	sor.u32 $0x380, s28;
	[tilespmem:s6+$0x10800] =	vst v6  }
0xf2: {  	[tilespmem:s7+$0x10800] =	vst v0  }
0xf3: {  	[tilespmem:s8+$0x80] =	vst v17  }
0xf4: {  	s15 =	sadd.s32 $0x20, s3;
	[tilespmem:s8+$0x100] =	vst v16  }
0xf5: {  	s16 =	sor.u32 $0x200, s15;
	[tilespmem:s8+$0x180] =	vst v63  }
0xf6: {  	s24 =	sor.u32 $0x280, s15;
	[tilespmem:s16+$0x10800] =	vst v10  }
0xf7: {  	s28 =	sor.u32 $0x300, s15;
	[tilespmem:s24+$0x10800] =	vst v14  }
0xf8: {  	p1 =	sne.s32 s0, $0x14;
	[tilespmem:s28+$0x10800] =	vst v15  }
.Ltmp2:
0xf9: {  	s7 =	rddreg [dreg:$0x8];
	(pc) =	sbr.rel @p1 .LBB2_8-.Ltmp2, $4  }
0xfa: {  	s6 =	sor.u32 $0x380, s15;
	s7 =	sadd.s32 s2, s7  }
0xfb: {  	s3 =	sor.u32 $0x380, s3;
	[tilespmem:s6+$0x10800] =	vst v20;
	s29 =	sshll.u32 s7, $0xB  }
0xfc: {  	s31 =	simm.s32 $0x10800;
	[tilespmem:s3+$0x10800] =	vst v1;
	s30 =	sadd.s32 s4, s29  }
0xfd: {  	[hbm4b:s30+s5] =	stream.linear.scatter [tilespmem:s31], [sflag:$0x5], $0x4000, $0x38;
	[tilespmem:$0x18800] =	vst v63  }
.Ltmp3:
0xfe: {  	(pc) =	sbr.rel .LBB2_9-.Ltmp3, $4  }
0xff: {  	_ = 	snop  }
0x100: {  	_ =	swait.ge [sflag:s25], $0x4000  }
0x101: {  	[sflag:s25] =	ssyncset.done $0x0  }
0x102: {  	[sflag:s25] =	ssyncadd.s32 $0xFFFFC000  }
.LBB2_8:
0x103: {  	s3 =	rddreg [dreg:$0x9]  }
0x104: {  	s3 =	sadd.s32 s2, s3  }
0x105: {  	s3 =	sshll.u32 s3, $0xB  }
.Ltmp4:
0x106: {  	s3 =	sadd.s32 s1, s3;
	(pc) =	sbr.rel @p0 .LBB2_10-.Ltmp4, $4  }
0x107: {  	[tilespmem:s18], [sflag:$0x2] =	stream.linear.gather [hbm4b:s3+s5], $0x4000, $0x38;
	[tilespmem:$0x18800] =	vst v63  }
0x108: {  	_ =	swait.ge [sflag:s25], $0x4000  }
0x109: {  	[sflag:s25] =	ssyncset.done $0x0  }
0x10a: {  	[sflag:s25] =	ssyncadd.s32 $0xFFFFC000  }
.LBB2_9:
0x10b: {  	_ =	swait.ge [sflag:s26], $0x4000  }
0x10c: {  	[sflag:s26] =	ssyncset.done $0x0  }
0x10d: {  	[sflag:s26] =	ssyncadd.s32 $0xFFFFC000  }
.LBB2_10:
0x10e: {  	s3 =	simm.s32 $0x0  }
0x10f: {  	s15 =	sand.u32 $0x40, s3  }
0x110: {  	s6 =	sand.u32 $0x780, s3;
	s9 =	sor.u32 $0x10, s15  }
0x111: {  	s8 =	sor.u32 s9, s6  }
0x112: {  	v0 =	vld [tilespmem:s8+$0x0];
	_ =	sdelay $0x1  }
0x113: {  	s7 =	sor.u32 $0x30, s15  }
0x114: {  	s28 =	sor.u32 s7, s6  }
0x115: {  	v1 =	vld [tilespmem:s28+$0x0]  }
0x116: {  	v2 =	vshll.u32 v0, $0x3  }
0x117: {  	v0 =	vand.u32 $0x7F, v0;
	v2 =	vand.u32 $0xFFFFFC00, v2  }
0x118: {  	v17 =	vor.u32 v0, v2  }
0x119: {  	s8 =	sor.u32 $0x20, s15;
	v2 =	vor.u32 $0x200, v17  }
0x11a: {  	s6 =	sor.u32 s8, s6;
	v0 =	vshll.u32 v1, $0x3;
	v3 =	vor.u32 $0x300, v17  }
0x11b: {  	v12 =	vld [tilespmem:s6+$0x0];
	v1 =	vand.u32 $0x7F, v1;
	v0 =	vand.u32 $0xFFFFFC00, v0;
	v6 =	vor.u32 $0x280, v17  }
0x11c: {  	v7 =	vor.u32 $0x100, v17;
	v19 =	vor.u32 v1, v0;
	v1 =	vld [tilespmem:s3+$0x0]  }
0x11d: {  	v22 =	vor.u32 $0x80, v17;
	v10 =	vld.idx.msk [tilespmem:v17+s19+$0x0], $0xffff  }
0x11e: {  	v0 =	vor.u32 $0x80, v19;
	v4 =	vld.idx.msk [tilespmem:v2+s19+$0x0], $0xffff  }
0x11f: {  	v5 =	vld.idx.msk [tilespmem:v3+s19+$0x0], $0xffff  }
0x120: {  	v18 =	vor.u32 $0x100, v19;
	v8 =	vld.idx.msk [tilespmem:v6+s19+$0x0], $0xffff  }
0x121: {  	v2 =	vor.u32 $0x380, v19;
	v16 =	vld.idx.msk [tilespmem:v7+s19+$0x0], $0xffff  }
0x122: {  	v9 =	vor.u32 $0x300, v19;
	v25 =	vld.idx.msk [tilespmem:v22+s19+$0x0], $0xffff  }
0x123: {  	v3 =	vor.u32 $0x280, v19;
	v14 =	vld.idx.msk [tilespmem:v0+s19+$0x0], $0xffff;
	v0 =	vshll.u32 v1, $0x3  }
0x124: {  	v6 =	vor.u32 $0x200, v19;
	v15 =	vld.idx.msk [tilespmem:v19+s19+$0x0], $0xffff;
	v1 =	vand.u32 $0x7F, v1;
	v11 =	vand.u32 $0xFFFFFC00, v0  }
0x125: {  	v13 =	vor.u32 $0x380, v17;
	v24 =	vld.idx.msk [tilespmem:v18+s19+$0x0], $0xffff;
	v23 =	vor.u32 v1, v11  }
0x126: {  	v0 =	vld.idx.msk [tilespmem:v2+s19+$0x0], $0xffff;
	v1 =	vor.u32 $0x380, v23  }
0x127: {  	v2 =	vld.idx.msk [tilespmem:v9+s19+$0x0], $0xffff;
	v9 =	vor.u32 $0x100, v23  }
0x128: {  	v3 =	vld.idx.msk [tilespmem:v3+s19+$0x0], $0xffff;
	v20 =	vor.u32 $0x280, v23  }
0x129: {  	v7 =	vor.u32 $0x200, v23;
	v11 =	vld.idx.msk [tilespmem:v6+s19+$0x0], $0xffff  }
0x12a: {  	v6 =	vld.idx.msk [tilespmem:v13+s19+$0x0], $0xffff;
	v21 =	vor.u32 $0x300, v23  }
0x12b: {  	v18 =	vor.u32 $0x180, v23;
	v1 =	vld.idx.msk [tilespmem:v1+s19+$0x0], $0xffff  }
0x12c: {  	v26 =	vor.u32 $0x80, v23;
	v27 =	vld.idx.msk [tilespmem:v9+s19+$0x0], $0xffff  }
0x12d: {  	v9 =	vld.idx.msk [tilespmem:v20+s19+$0x0], $0xffff;
	v20 =	vshll.u32 v12, $0x3  }
0x12e: {  	v22 =	vor.u32 $0x180, v17;
	v13 =	vld.idx.msk [tilespmem:v7+s19+$0x0], $0xffff;
	v12 =	vand.u32 $0x7F, v12;
	v20 =	vand.u32 $0xFFFFFC00, v20  }
0x12f: {  	p1 =	por $0x0, $0x0;
	s16 =	simm.s32 $0x0;
	s20 =	simm.s32 $0x40;
	v7 =	vld.idx.msk [tilespmem:v21+s19+$0x0], $0xffff;
	v12 =	vor.u32 v12, v20;
	v20 =	vor.u32 $0x180, v19  }
0x130: {  	s29 =	simm.s32 $0x200;
	s30 =	simm.s32 $0x40;
	s31 =	sand.u32 $0x3C00, s3;
	v18 =	vld.idx.msk [tilespmem:v18+s19+$0x0], $0xffff  }
0x131: {  	p0 =	por p1, p1;
	p1 =	por !p1, !p1;
	s12 =	sadd.s32 $0x14800, s31;
	v26 =	vld.idx.msk [tilespmem:v26+s19+$0x0], $0xffff  }
.LBB2_11:
0x132: {  	s16 =	sadd.s32 $0x4, s16;
	v19 =	vld.idx.msk [tilespmem:v23+s19+$0x0], $0xffff;
	s28 =	sor.u32 s15, s12;
	s15 =	sand.u32 $0x40, s30  }
0x133: {  	s10 =	sand.u32 $0x780, s30;
	v17 =	vor.u32 $0x380, v12;
	s6 =	sor.u32 $0x10, s15;
	s11 =	sor.u32 $0x30, s15;
	[tilespmem:s28+$0x100] =	vst v27;
	v22 =	vld.idx.msk [tilespmem:v22+s19+$0x0], $0xffff  }
0x134: {  	v21 =	vor.u32 $0x300, v12;
	s14 =	sor.u32 s7, s12;
	s22 =	sor.u32 $0x20, s15;
	s24 =	sor.u32 s6, s10;
	v20 =	vld.idx.msk [tilespmem:v20+s19+$0x0], $0xffff  }
0x135: {  	p2 =	slt.u32 s16, $0x7C;
	v27 =	vor.u32 $0x280, v12;
	s7 =	sor.u32 s22, s10;
	s10 =	sor.u32 s11, s10;
	v23 =	vld [tilespmem:s24+$0x0]  }
0x136: {  	v29 =	vor.u32 $0x200, v12;
	v28 =	vld [tilespmem:s7+$0x0];
	[tilespmem:s14+$0x0] =	vst v15;
	s7 =	smov.u32 s11  }
0x137: {  	v15 =	vld [tilespmem:s10+$0x0];
	[tilespmem:s14+$0x80] =	vst v14  }
0x138: {  	v14 =	vor.u32 $0x100, v12;
	v17 =	vld.idx.msk [tilespmem:v17+s19+$0x0], $0xffff;
	[tilespmem:s14+$0x100] =	vst v24  }
0x139: {  	s10 =	sor.u32 s9, s12;
	s9 =	smov.u32 s6;
	v24 =	vor.u32 $0x80, v12;
	[tilespmem:s28+$0x0] =	vst v19;
	v19 =	vld.idx.msk [tilespmem:v21+s19+$0x0], $0xffff  }
0x13a: {  	v30 =	vshll.u32 v23, $0x3;
	[tilespmem:s10+$0x100] =	vst v16;
	v16 =	vor.u32 $0x180, v12;
	v21 =	vld.idx.msk [tilespmem:v27+s19+$0x0], $0xffff  }
0x13b: {  	v23 =	vand.u32 $0x7F, v23;
	v27 =	vand.u32 $0xFFFFFC00, v30;
	v30 =	vshll.u32 v28, $0x3;
	[tilespmem:s10+$0x0] =	vst v10;
	v29 =	vld.idx.msk [tilespmem:v29+s19+$0x0], $0xffff  }
0x13c: {  	s6 =	simm.s32 $0x1;
	v23 =	vor.u32 v23, v27;
	v10 =	vand.u32 $0x7F, v15;
	v15 =	vshll.u32 v15, $0x3;
	[tilespmem:s28+$0x80] =	vst v26;
	v26 =	vld.idx.msk [tilespmem:v12+s19+$0x0], $0xffff  }
0x13d: {  	s6 =	simm.s32 @!p0 $0x0;
	p0 =	por p1, p1;
	v12 =	vand.u32 $0xFFFFFC00, v30;
	v27 =	vor.u32 $0x200, v23;
	v15 =	vand.u32 $0xFFFFFC00, v15;
	[tilespmem:s10+$0x80] =	vst v25;
	v25 =	vld.idx.msk [tilespmem:v14+s19+$0x0], $0xffff  }
0x13e: {  	s6 =	sshll.u32 s6, $0x6;
	v30 =	vor.u32 $0x80, v23;
	v14 =	vand.u32 $0x7F, v28;
	v28 =	vor.u32 v10, v15;
	[tilespmem:s10+$0x180] =	vst v22;
	v24 =	vld.idx.msk [tilespmem:v24+s19+$0x0], $0xffff  }
0x13f: {  	s24 =	sadd.s32 s6, s3;
	s3 =	smov.u32 s29;
	v32 =	vor.u32 $0x280, v23;
	v33 =	vor.u32 $0x380, v23;
	v31 =	vld [tilespmem:s20+$0x0];
	v34 =	vor.u32 $0x80, v28;
	[tilespmem:s14+$0x180] =	vst v20  }
0x140: {  	s6 =	sor.u32 $0x200, s24;
	v35 =	vor.u32 $0x300, v23;
	v12 =	vor.u32 v14, v12;
	s10 =	sadd.s32 $0x10, s24;
	v36 =	vor.u32 $0x100, v28;
	s14 =	sadd.s32 $0x30, s24;
	[tilespmem:s28+$0x180] =	vst v18;
	v18 =	vld.idx.msk [tilespmem:v16+s19+$0x0], $0xffff  }
0x141: {  	v20 =	vor.u32 $0x180, v28;
	s28 =	sadd.s32 $0x20, s24;
	v10 =	vld.idx.msk [tilespmem:v23+s19+$0x0], $0xffff;
	[tilespmem:s6+$0x14800] =	vst v13;
	s6 =	sor.u32 $0x200, s14  }
0x142: {  	s11 =	sor.u32 s8, s12;
	s8 =	smov.u32 s22;
	v16 =	vor.u32 $0x380, v28;
	v13 =	vor.u32 $0x100, v23;
	v27 =	vld.idx.msk [tilespmem:v27+s19+$0x0], $0xffff;
	[tilespmem:s6+$0x14800] =	vst v11  }
0x143: {  	v22 =	vor.u32 $0x180, v23;
	v15 =	vld.idx.msk [tilespmem:v28+s19+$0x0], $0xffff;
	[tilespmem:s11+$0x0] =	vst v26  }
0x144: {  	v26 =	vor.u32 $0x300, v28;
	v11 =	vshll.u32 v31, $0x3;
	v14 =	vld.idx.msk [tilespmem:v34+s19+$0x0], $0xffff;
	[tilespmem:s11+$0x80] =	vst v24  }
0x145: {  	s6 =	sor.u32 $0x200, s10;
	v23 =	vand.u32 $0x7F, v31;
	v31 =	vor.u32 $0x280, v28;
	v11 =	vand.u32 $0xFFFFFC00, v11;
	v24 =	vld.idx.msk [tilespmem:v35+s19+$0x0], $0xffff;
	[tilespmem:s11+$0x100] =	vst v25  }
0x146: {  	v23 =	vor.u32 v23, v11;
	v25 =	vld.idx.msk [tilespmem:v32+s19+$0x0], $0xffff;
	v11 =	vor.u32 $0x200, v28;
	[tilespmem:s6+$0x14800] =	vst v4;
	s6 =	sor.u32 $0x280, s10  }
0x147: {  	v28 =	vor.u32 $0x80, v23;
	v32 =	vor.u32 $0x180, v23;
	v34 =	vor.u32 $0x380, v23;
	v35 =	vld.idx.msk [tilespmem:v16+s19+$0x0], $0xffff;
	[tilespmem:s6+$0x14800] =	vst v8;
	s6 =	sor.u32 $0x300, s10  }
0x148: {  	v37 =	vor.u32 $0x100, v23;
	v38 =	vor.u32 $0x200, v23;
	v4 =	vmov v27;
	v16 =	vld.idx.msk [tilespmem:v13+s19+$0x0], $0xffff;
	[tilespmem:s6+$0x14800] =	vst v5;
	s6 =	sor.u32 $0x380, s10  }
0x149: {  	v26 =	vld.idx.msk [tilespmem:v26+s19+$0x0], $0xffff;
	[tilespmem:s6+$0x14800] =	vst v6;
	s6 =	sor.u32 $0x280, s14  }
0x14a: {  	s10 =	sor.u32 $0x280, s24;
	[tilespmem:s6+$0x14800] =	vst v3;
	v3 =	vld.idx.msk [tilespmem:v31+s19+$0x0], $0xffff  }
0x14b: {  	v5 =	vmov v24;
	v11 =	vld.idx.msk [tilespmem:v11+s19+$0x0], $0xffff;
	[tilespmem:s10+$0x14800] =	vst v9  }
0x14c: {  	s6 =	sor.u32 $0x200, s28;
	v9 =	vor.u32 $0x280, v23;
	v8 =	vmov v25;
	v6 =	vld.idx.msk [tilespmem:v33+s19+$0x0], $0xffff;
	[tilespmem:s11+$0x180] =	vst v18  }
0x14d: {  	v18 =	vor.u32 $0x300, v23;
	v24 =	vld.idx.msk [tilespmem:v36+s19+$0x0], $0xffff;
	[tilespmem:s6+$0x14800] =	vst v29;
	s6 =	sor.u32 $0x300, s14  }
0x14e: {  	s10 =	sor.u32 $0x300, s24;
	v29 =	vld.idx.msk [tilespmem:v34+s19+$0x0], $0xffff;
	[tilespmem:s6+$0x14800] =	vst v2  }
0x14f: {  	s6 =	sor.u32 $0x380, s14;
	v2 =	vmov v26;
	v13 =	vld.idx.msk [tilespmem:v38+s19+$0x0], $0xffff;
	[tilespmem:s10+$0x14800] =	vst v7  }
0x150: {  	s10 =	sor.u32 $0x280, s28;
	v27 =	vld.idx.msk [tilespmem:v37+s19+$0x0], $0xffff;
	[tilespmem:s6+$0x14800] =	vst v0;
	v0 =	vmov v35  }
.Ltmp5:
0x151: {  	s6 =	sor.u32 $0x300, s28;
	v9 =	vld.idx.msk [tilespmem:v9+s19+$0x0], $0xffff;
	[tilespmem:s10+$0x14800] =	vst v21;
	(pc) =	sbr.rel @p2 .LBB2_11-.Ltmp5, $4  }
0x152: {  	s10 =	sor.u32 $0x380, s24;
	v7 =	vld.idx.msk [tilespmem:v18+s19+$0x0], $0xffff;
	[tilespmem:s6+$0x14800] =	vst v19;
	s6 =	sor.u32 $0x380, s28  }
0x153: {  	v18 =	vld.idx.msk [tilespmem:v32+s19+$0x0], $0xffff;
	[tilespmem:s6+$0x14800] =	vst v17  }
0x154: {  	p1 =	por !p1, !p1;
	s20 =	sadd.s32 $0x40, s20;
	s6 =	sand.u32 $0x3C00, s29;
	v25 =	vld.idx.msk [tilespmem:v30+s19+$0x0], $0xffff;
	[tilespmem:s10+$0x14800] =	vst v1;
	v1 =	vmov v29  }
0x155: {  	s30 =	sadd.s32 $0x40, s30;
	s29 =	sadd.s32 $0x200, s29;
	s12 =	sadd.s32 $0x14800, s6;
	v26 =	vld.idx.msk [tilespmem:v28+s19+$0x0], $0xffff  }
0x156: {  	_ =	sdelay $0x2  }
0x157: {  	s6 =	sor.u32 s15, s12  }
0x158: {  	v17 =	vld.idx.msk [tilespmem:v23+s19+$0x0], $0xffff;
	s7 =	sor.u32 s7, s12;
	[tilespmem:s6+$0x100] =	vst v27  }
0x159: {  	v19 =	vld.idx.msk [tilespmem:v20+s19+$0x0], $0xffff;
	v55 =	vor.u32 $0x380, v12;
	[tilespmem:s7+$0x0] =	vst v15  }
0x15a: {  	v56 =	vor.u32 $0x300, v12;
	[tilespmem:s7+$0x80] =	vst v14  }
0x15b: {  	v57 =	vor.u32 $0x280, v12;
	s9 =	sor.u32 s9, s12;
	[tilespmem:s7+$0x100] =	vst v24  }
0x15c: {  	v21 =	vld.idx.msk [tilespmem:v22+s19+$0x0], $0xffff;
	v58 =	vor.u32 $0x80, v12;
	[tilespmem:s9+$0x100] =	vst v16  }
0x15d: {  	v59 =	vor.u32 $0x100, v12;
	v62 =	vld.idx.msk [tilespmem:v12+s19+$0x0], $0xffff;
	[tilespmem:s9+$0x0] =	vst v10  }
0x15e: {  	v60 =	vor.u32 $0x200, v12;
	[tilespmem:s6+$0x180] =	vst v18;
	v20 =	vld.idx.msk [tilespmem:v55+s19+$0x0], $0xffff  }
0x15f: {  	v61 =	vor.u32 $0x180, v12;
	[tilespmem:s9+$0x80] =	vst v25;
	v15 =	vld.idx.msk [tilespmem:v56+s19+$0x0], $0xffff  }
0x160: {  	s10 =	simm.s32 $0x1;
	[tilespmem:s6+$0x80] =	vst v26;
	v14 =	vld.idx.msk [tilespmem:v57+s19+$0x0], $0xffff  }
0x161: {  	s10 =	simm.s32 @!p0 $0x0;
	[tilespmem:s6+$0x0] =	vst v17;
	v17 =	vld.idx.msk [tilespmem:v58+s19+$0x0], $0xffff  }
0x162: {  	s10 =	sshll.u32 s10, $0x6;
	[tilespmem:s9+$0x180] =	vst v21;
	v16 =	vld.idx.msk [tilespmem:v59+s19+$0x0], $0xffff  }
0x163: {  	s8 =	sor.u32 s8, s12;
	s3 =	sadd.s32 s10, s3;
	[tilespmem:s7+$0x180] =	vst v19;
	v10 =	vld.idx.msk [tilespmem:v60+s19+$0x0], $0xffff  }
0x164: {  	s24 =	sor.u32 $0x200, s3;
	s28 =	sadd.s32 $0x30, s3;
	v63 =	vld.idx.msk [tilespmem:v61+s19+$0x0], $0xffff;
	[tilespmem:s8+$0x0] =	vst v62  }
0x165: {  	s30 =	sadd.s32 $0x10, s3;
	s29 =	sor.u32 $0x200, s28;
	[tilespmem:s24+$0x14800] =	vst v13  }
0x166: {  	s31 =	sor.u32 $0x200, s30;
	[tilespmem:s29+$0x14800] =	vst v11  }
0x167: {  	s10 =	sor.u32 $0x280, s30;
	[tilespmem:s31+$0x14800] =	vst v4  }
0x168: {  	s12 =	sor.u32 $0x280, s28;
	[tilespmem:s10+$0x14800] =	vst v8  }
0x169: {  	s14 =	sor.u32 $0x280, s3;
	[tilespmem:s12+$0x14800] =	vst v3  }
0x16a: {  	s11 =	sor.u32 $0x300, s30;
	[tilespmem:s14+$0x14800] =	vst v9  }
0x16b: {  	s20 =	sor.u32 $0x300, s28;
	[tilespmem:s11+$0x14800] =	vst v5  }
0x16c: {  	s22 =	sor.u32 $0x300, s3;
	[tilespmem:s20+$0x14800] =	vst v2  }
0x16d: {  	s6 =	sor.u32 $0x380, s30;
	[tilespmem:s22+$0x14800] =	vst v7  }
0x16e: {  	s7 =	sor.u32 $0x380, s28;
	[tilespmem:s6+$0x14800] =	vst v6  }
0x16f: {  	[tilespmem:s7+$0x14800] =	vst v0  }
0x170: {  	[tilespmem:s8+$0x80] =	vst v17  }
0x171: {  	s15 =	sadd.s32 $0x20, s3;
	[tilespmem:s8+$0x100] =	vst v16  }
0x172: {  	s16 =	sor.u32 $0x200, s15;
	[tilespmem:s8+$0x180] =	vst v63  }
0x173: {  	s24 =	sor.u32 $0x280, s15;
	[tilespmem:s16+$0x14800] =	vst v10  }
0x174: {  	s28 =	sor.u32 $0x300, s15;
	[tilespmem:s24+$0x14800] =	vst v14  }
0x175: {  	p0 =	seq.s32 s0, $0x14;
	[tilespmem:s28+$0x14800] =	vst v15  }
.Ltmp6:
0x176: {  	s7 =	rddreg [dreg:$0xa];
	(pc) =	sbr.rel @p0 .LBB2_14-.Ltmp6, $4  }
0x177: {  	s6 =	sor.u32 $0x380, s15;
	s7 =	sadd.s32 s2, s7  }
0x178: {  	s3 =	sor.u32 $0x380, s3;
	[tilespmem:s6+$0x14800] =	vst v20;
	s29 =	sshll.u32 s7, $0xB  }
0x179: {  	s31 =	simm.s32 $0x14800;
	[tilespmem:s3+$0x14800] =	vst v1;
	s30 =	sadd.s32 s4, s29  }
0x17a: {  	[hbm4b:s30+s5] =	stream.linear.scatter [tilespmem:s31], [sflag:$0x6], $0x4000, $0x38;
	[tilespmem:$0x18800] =	vst v63  }
.Ltmp7:
0x17b: {  	s3 =	rddreg [dreg:$0xb];
	(pc) =	sbr.rel .LBB2_2-.Ltmp7, $4  }
0x17c: {  	s2 =	sadd.s32 s2, s3  }
0x17d: {  	s2 =	sshll.u32 s2, $0xB  }
0x17e: {  	s0 =	sadd.s32 $0x1, s0;
	s2 =	sadd.s32 s1, s2  }
0x17f: {  	[tilespmem:s19], [sflag:$0x3] =	stream.linear.gather [hbm4b:s2+s5], $0x4000, $0x38;
	[tilespmem:$0x18800] =	vst v63  }
.LBB2_14:
0x180: {  	_ =	swait.ge [sflag:s21], $0x4000  }
0x181: {  	[sflag:s21] =	ssyncset.done $0x0  }
0x182: {  	s0 =	simm.s32 $0x0;
	s29 =	simm.s32 $0x4;
	[sflag:s21] =	ssyncadd.s32 $0xFFFFC000  }
0x183: {  	s8 =	sand.u32 $0x40, s0;
	_ =	swait.ge [sflag:s29], $0x4000  }
0x184: {  	s6 =	sand.u32 $0x780, s0;
	s3 =	sor.u32 $0x10, s8;
	[sflag:s29] =	ssyncset.done $0x0  }
0x185: {  	s2 =	sor.u32 s3, s6;
	[sflag:s29] =	ssyncadd.s32 $0xFFFFC000  }
0x186: {  	v0 =	vld [tilespmem:s2+$0x0];
	_ =	sdelay $0x1  }
0x187: {  	s7 =	sor.u32 $0x30, s8  }
0x188: {  	s30 =	sor.u32 s7, s6  }
0x189: {  	v1 =	vld [tilespmem:s30+$0x0]  }
0x18a: {  	v2 =	vshll.u32 v0, $0x3  }
0x18b: {  	v0 =	vand.u32 $0x7F, v0;
	v2 =	vand.u32 $0xFFFFFC00, v2  }
0x18c: {  	v17 =	vor.u32 v0, v2  }
0x18d: {  	s2 =	sor.u32 $0x20, s8;
	v2 =	vor.u32 $0x200, v17  }
0x18e: {  	s6 =	sor.u32 s2, s6;
	v0 =	vshll.u32 v1, $0x3;
	v3 =	vor.u32 $0x300, v17  }
0x18f: {  	v12 =	vld [tilespmem:s6+$0x0];
	v1 =	vand.u32 $0x7F, v1;
	v0 =	vand.u32 $0xFFFFFC00, v0;
	v6 =	vor.u32 $0x280, v17  }
0x190: {  	v7 =	vor.u32 $0x100, v17;
	v19 =	vor.u32 v1, v0;
	v1 =	vld [tilespmem:s0+$0x0]  }
0x191: {  	v22 =	vor.u32 $0x80, v17;
	v10 =	vld.idx.msk [tilespmem:v17+s17+$0x0], $0xffff  }
0x192: {  	v0 =	vor.u32 $0x80, v19;
	v4 =	vld.idx.msk [tilespmem:v2+s17+$0x0], $0xffff  }
0x193: {  	v5 =	vld.idx.msk [tilespmem:v3+s17+$0x0], $0xffff  }
0x194: {  	v18 =	vor.u32 $0x100, v19;
	v8 =	vld.idx.msk [tilespmem:v6+s17+$0x0], $0xffff  }
0x195: {  	v2 =	vor.u32 $0x380, v19;
	v16 =	vld.idx.msk [tilespmem:v7+s17+$0x0], $0xffff  }
0x196: {  	v9 =	vor.u32 $0x300, v19;
	v25 =	vld.idx.msk [tilespmem:v22+s17+$0x0], $0xffff  }
0x197: {  	v3 =	vor.u32 $0x280, v19;
	v14 =	vld.idx.msk [tilespmem:v0+s17+$0x0], $0xffff;
	v0 =	vshll.u32 v1, $0x3  }
0x198: {  	v6 =	vor.u32 $0x200, v19;
	v15 =	vld.idx.msk [tilespmem:v19+s17+$0x0], $0xffff;
	v1 =	vand.u32 $0x7F, v1;
	v11 =	vand.u32 $0xFFFFFC00, v0  }
0x199: {  	v13 =	vor.u32 $0x380, v17;
	v24 =	vld.idx.msk [tilespmem:v18+s17+$0x0], $0xffff;
	v23 =	vor.u32 v1, v11  }
0x19a: {  	v0 =	vld.idx.msk [tilespmem:v2+s17+$0x0], $0xffff;
	v1 =	vor.u32 $0x380, v23  }
0x19b: {  	v2 =	vld.idx.msk [tilespmem:v9+s17+$0x0], $0xffff;
	v9 =	vor.u32 $0x100, v23  }
0x19c: {  	v3 =	vld.idx.msk [tilespmem:v3+s17+$0x0], $0xffff;
	v20 =	vor.u32 $0x280, v23  }
0x19d: {  	v7 =	vor.u32 $0x200, v23;
	v11 =	vld.idx.msk [tilespmem:v6+s17+$0x0], $0xffff  }
0x19e: {  	v6 =	vld.idx.msk [tilespmem:v13+s17+$0x0], $0xffff;
	v21 =	vor.u32 $0x300, v23  }
0x19f: {  	v18 =	vor.u32 $0x180, v23;
	v1 =	vld.idx.msk [tilespmem:v1+s17+$0x0], $0xffff  }
0x1a0: {  	v26 =	vor.u32 $0x80, v23;
	v27 =	vld.idx.msk [tilespmem:v9+s17+$0x0], $0xffff  }
0x1a1: {  	v9 =	vld.idx.msk [tilespmem:v20+s17+$0x0], $0xffff;
	v20 =	vshll.u32 v12, $0x3  }
0x1a2: {  	v22 =	vor.u32 $0x180, v17;
	v13 =	vld.idx.msk [tilespmem:v7+s17+$0x0], $0xffff;
	v12 =	vand.u32 $0x7F, v12;
	v20 =	vand.u32 $0xFFFFFC00, v20  }
0x1a3: {  	p1 =	por $0x0, $0x0;
	s9 =	simm.s32 $0x0;
	s15 =	simm.s32 $0x40;
	v7 =	vld.idx.msk [tilespmem:v21+s17+$0x0], $0xffff;
	v12 =	vor.u32 v12, v20;
	v20 =	vor.u32 $0x180, v19  }
0x1a4: {  	s16 =	simm.s32 $0x200;
	s20 =	simm.s32 $0x40;
	s31 =	sand.u32 $0x3C00, s0;
	v18 =	vld.idx.msk [tilespmem:v18+s17+$0x0], $0xffff  }
0x1a5: {  	p0 =	por p1, p1;
	p1 =	por !p1, !p1;
	s12 =	sadd.s32 $0xC800, s31;
	v26 =	vld.idx.msk [tilespmem:v26+s17+$0x0], $0xffff  }
.LBB2_15:
0x1a6: {  	s9 =	sadd.s32 $0x4, s9;
	v19 =	vld.idx.msk [tilespmem:v23+s17+$0x0], $0xffff;
	s28 =	sor.u32 s8, s12;
	s8 =	sand.u32 $0x40, s20  }
0x1a7: {  	s10 =	sand.u32 $0x780, s20;
	v17 =	vor.u32 $0x380, v12;
	s6 =	sor.u32 $0x10, s8;
	s11 =	sor.u32 $0x30, s8;
	[tilespmem:s28+$0x100] =	vst v27;
	v22 =	vld.idx.msk [tilespmem:v22+s17+$0x0], $0xffff  }
0x1a8: {  	v21 =	vor.u32 $0x300, v12;
	s14 =	sor.u32 s7, s12;
	s22 =	sor.u32 $0x20, s8;
	s24 =	sor.u32 s6, s10;
	v20 =	vld.idx.msk [tilespmem:v20+s17+$0x0], $0xffff  }
0x1a9: {  	p2 =	slt.u32 s9, $0x7C;
	v27 =	vor.u32 $0x280, v12;
	s7 =	sor.u32 s22, s10;
	s10 =	sor.u32 s11, s10;
	v23 =	vld [tilespmem:s24+$0x0]  }
0x1aa: {  	v29 =	vor.u32 $0x200, v12;
	v28 =	vld [tilespmem:s7+$0x0];
	[tilespmem:s14+$0x0] =	vst v15;
	s7 =	smov.u32 s11  }
0x1ab: {  	v15 =	vld [tilespmem:s10+$0x0];
	[tilespmem:s14+$0x80] =	vst v14  }
0x1ac: {  	v14 =	vor.u32 $0x100, v12;
	v17 =	vld.idx.msk [tilespmem:v17+s17+$0x0], $0xffff;
	[tilespmem:s14+$0x100] =	vst v24  }
0x1ad: {  	s10 =	sor.u32 s3, s12;
	s3 =	smov.u32 s6;
	v24 =	vor.u32 $0x80, v12;
	[tilespmem:s28+$0x0] =	vst v19;
	v19 =	vld.idx.msk [tilespmem:v21+s17+$0x0], $0xffff  }
0x1ae: {  	v30 =	vshll.u32 v23, $0x3;
	[tilespmem:s10+$0x100] =	vst v16;
	v16 =	vor.u32 $0x180, v12;
	v21 =	vld.idx.msk [tilespmem:v27+s17+$0x0], $0xffff  }
0x1af: {  	v23 =	vand.u32 $0x7F, v23;
	v27 =	vand.u32 $0xFFFFFC00, v30;
	v30 =	vshll.u32 v28, $0x3;
	[tilespmem:s10+$0x0] =	vst v10;
	v29 =	vld.idx.msk [tilespmem:v29+s17+$0x0], $0xffff  }
0x1b0: {  	s6 =	simm.s32 $0x1;
	v23 =	vor.u32 v23, v27;
	v10 =	vand.u32 $0x7F, v15;
	v15 =	vshll.u32 v15, $0x3;
	[tilespmem:s28+$0x80] =	vst v26;
	v26 =	vld.idx.msk [tilespmem:v12+s17+$0x0], $0xffff  }
0x1b1: {  	s6 =	simm.s32 @!p0 $0x0;
	p0 =	por p1, p1;
	v12 =	vand.u32 $0xFFFFFC00, v30;
	v27 =	vor.u32 $0x200, v23;
	v15 =	vand.u32 $0xFFFFFC00, v15;
	[tilespmem:s10+$0x80] =	vst v25;
	v25 =	vld.idx.msk [tilespmem:v14+s17+$0x0], $0xffff  }
0x1b2: {  	s6 =	sshll.u32 s6, $0x6;
	v30 =	vor.u32 $0x80, v23;
	v14 =	vand.u32 $0x7F, v28;
	v28 =	vor.u32 v10, v15;
	[tilespmem:s10+$0x180] =	vst v22;
	v24 =	vld.idx.msk [tilespmem:v24+s17+$0x0], $0xffff  }
0x1b3: {  	s24 =	sadd.s32 s6, s0;
	s0 =	smov.u32 s16;
	v32 =	vor.u32 $0x280, v23;
	v33 =	vor.u32 $0x380, v23;
	v31 =	vld [tilespmem:s15+$0x0];
	v34 =	vor.u32 $0x80, v28;
	[tilespmem:s14+$0x180] =	vst v20  }
0x1b4: {  	s6 =	sor.u32 $0x200, s24;
	v35 =	vor.u32 $0x300, v23;
	v12 =	vor.u32 v14, v12;
	s10 =	sadd.s32 $0x10, s24;
	v36 =	vor.u32 $0x100, v28;
	s14 =	sadd.s32 $0x30, s24;
	[tilespmem:s28+$0x180] =	vst v18;
	v18 =	vld.idx.msk [tilespmem:v16+s17+$0x0], $0xffff  }
0x1b5: {  	v20 =	vor.u32 $0x180, v28;
	s28 =	sadd.s32 $0x20, s24;
	v10 =	vld.idx.msk [tilespmem:v23+s17+$0x0], $0xffff;
	[tilespmem:s6+$0xC800] =	vst v13;
	s6 =	sor.u32 $0x200, s14  }
0x1b6: {  	s11 =	sor.u32 s2, s12;
	s2 =	smov.u32 s22;
	v16 =	vor.u32 $0x380, v28;
	v13 =	vor.u32 $0x100, v23;
	v27 =	vld.idx.msk [tilespmem:v27+s17+$0x0], $0xffff;
	[tilespmem:s6+$0xC800] =	vst v11  }
0x1b7: {  	v22 =	vor.u32 $0x180, v23;
	v15 =	vld.idx.msk [tilespmem:v28+s17+$0x0], $0xffff;
	[tilespmem:s11+$0x0] =	vst v26  }
0x1b8: {  	v26 =	vor.u32 $0x300, v28;
	v11 =	vshll.u32 v31, $0x3;
	v14 =	vld.idx.msk [tilespmem:v34+s17+$0x0], $0xffff;
	[tilespmem:s11+$0x80] =	vst v24  }
0x1b9: {  	s6 =	sor.u32 $0x200, s10;
	v23 =	vand.u32 $0x7F, v31;
	v31 =	vor.u32 $0x280, v28;
	v11 =	vand.u32 $0xFFFFFC00, v11;
	v24 =	vld.idx.msk [tilespmem:v35+s17+$0x0], $0xffff;
	[tilespmem:s11+$0x100] =	vst v25  }
0x1ba: {  	v23 =	vor.u32 v23, v11;
	v25 =	vld.idx.msk [tilespmem:v32+s17+$0x0], $0xffff;
	v11 =	vor.u32 $0x200, v28;
	[tilespmem:s6+$0xC800] =	vst v4;
	s6 =	sor.u32 $0x280, s10  }
0x1bb: {  	v28 =	vor.u32 $0x80, v23;
	v32 =	vor.u32 $0x180, v23;
	v34 =	vor.u32 $0x380, v23;
	v35 =	vld.idx.msk [tilespmem:v16+s17+$0x0], $0xffff;
	[tilespmem:s6+$0xC800] =	vst v8;
	s6 =	sor.u32 $0x300, s10  }
0x1bc: {  	v37 =	vor.u32 $0x100, v23;
	v38 =	vor.u32 $0x200, v23;
	v4 =	vmov v27;
	v16 =	vld.idx.msk [tilespmem:v13+s17+$0x0], $0xffff;
	[tilespmem:s6+$0xC800] =	vst v5;
	s6 =	sor.u32 $0x380, s10  }
0x1bd: {  	v26 =	vld.idx.msk [tilespmem:v26+s17+$0x0], $0xffff;
	[tilespmem:s6+$0xC800] =	vst v6;
	s6 =	sor.u32 $0x280, s14  }
0x1be: {  	s10 =	sor.u32 $0x280, s24;
	[tilespmem:s6+$0xC800] =	vst v3;
	v3 =	vld.idx.msk [tilespmem:v31+s17+$0x0], $0xffff  }
0x1bf: {  	v5 =	vmov v24;
	v11 =	vld.idx.msk [tilespmem:v11+s17+$0x0], $0xffff;
	[tilespmem:s10+$0xC800] =	vst v9  }
0x1c0: {  	s6 =	sor.u32 $0x200, s28;
	v9 =	vor.u32 $0x280, v23;
	v8 =	vmov v25;
	v6 =	vld.idx.msk [tilespmem:v33+s17+$0x0], $0xffff;
	[tilespmem:s11+$0x180] =	vst v18  }
0x1c1: {  	v18 =	vor.u32 $0x300, v23;
	v24 =	vld.idx.msk [tilespmem:v36+s17+$0x0], $0xffff;
	[tilespmem:s6+$0xC800] =	vst v29;
	s6 =	sor.u32 $0x300, s14  }
0x1c2: {  	s10 =	sor.u32 $0x300, s24;
	v29 =	vld.idx.msk [tilespmem:v34+s17+$0x0], $0xffff;
	[tilespmem:s6+$0xC800] =	vst v2  }
0x1c3: {  	s6 =	sor.u32 $0x380, s14;
	v2 =	vmov v26;
	v13 =	vld.idx.msk [tilespmem:v38+s17+$0x0], $0xffff;
	[tilespmem:s10+$0xC800] =	vst v7  }
0x1c4: {  	s10 =	sor.u32 $0x280, s28;
	v27 =	vld.idx.msk [tilespmem:v37+s17+$0x0], $0xffff;
	[tilespmem:s6+$0xC800] =	vst v0;
	v0 =	vmov v35  }
.Ltmp8:
0x1c5: {  	s6 =	sor.u32 $0x300, s28;
	v9 =	vld.idx.msk [tilespmem:v9+s17+$0x0], $0xffff;
	[tilespmem:s10+$0xC800] =	vst v21;
	(pc) =	sbr.rel @p2 .LBB2_15-.Ltmp8, $4  }
0x1c6: {  	s10 =	sor.u32 $0x380, s24;
	v7 =	vld.idx.msk [tilespmem:v18+s17+$0x0], $0xffff;
	[tilespmem:s6+$0xC800] =	vst v19;
	s6 =	sor.u32 $0x380, s28  }
0x1c7: {  	v18 =	vld.idx.msk [tilespmem:v32+s17+$0x0], $0xffff;
	[tilespmem:s6+$0xC800] =	vst v17  }
0x1c8: {  	p1 =	por !p1, !p1;
	s15 =	sadd.s32 $0x40, s15;
	s6 =	sand.u32 $0x3C00, s16;
	v25 =	vld.idx.msk [tilespmem:v30+s17+$0x0], $0xffff;
	[tilespmem:s10+$0xC800] =	vst v1;
	v1 =	vmov v29  }
0x1c9: {  	s20 =	sadd.s32 $0x40, s20;
	s16 =	sadd.s32 $0x200, s16;
	s12 =	sadd.s32 $0xC800, s6;
	v26 =	vld.idx.msk [tilespmem:v28+s17+$0x0], $0xffff  }
0x1ca: {  	_ =	sdelay $0x2  }
0x1cb: {  	s6 =	sor.u32 s8, s12  }
0x1cc: {  	v17 =	vld.idx.msk [tilespmem:v23+s17+$0x0], $0xffff;
	s7 =	sor.u32 s7, s12;
	[tilespmem:s6+$0x100] =	vst v27  }
0x1cd: {  	v19 =	vld.idx.msk [tilespmem:v20+s17+$0x0], $0xffff;
	v55 =	vor.u32 $0x380, v12;
	[tilespmem:s7+$0x0] =	vst v15  }
0x1ce: {  	v56 =	vor.u32 $0x300, v12;
	[tilespmem:s7+$0x80] =	vst v14  }
0x1cf: {  	v57 =	vor.u32 $0x280, v12;
	s3 =	sor.u32 s3, s12;
	[tilespmem:s7+$0x100] =	vst v24  }
0x1d0: {  	v21 =	vld.idx.msk [tilespmem:v22+s17+$0x0], $0xffff;
	v58 =	vor.u32 $0x80, v12;
	[tilespmem:s3+$0x100] =	vst v16  }
0x1d1: {  	v59 =	vor.u32 $0x100, v12;
	v62 =	vld.idx.msk [tilespmem:v12+s17+$0x0], $0xffff;
	[tilespmem:s3+$0x0] =	vst v10  }
0x1d2: {  	v60 =	vor.u32 $0x200, v12;
	[tilespmem:s6+$0x180] =	vst v18;
	v20 =	vld.idx.msk [tilespmem:v55+s17+$0x0], $0xffff  }
0x1d3: {  	v61 =	vor.u32 $0x180, v12;
	[tilespmem:s3+$0x80] =	vst v25;
	v15 =	vld.idx.msk [tilespmem:v56+s17+$0x0], $0xffff  }
0x1d4: {  	s8 =	simm.s32 $0x1;
	[tilespmem:s6+$0x80] =	vst v26;
	v14 =	vld.idx.msk [tilespmem:v57+s17+$0x0], $0xffff  }
0x1d5: {  	s8 =	simm.s32 @!p0 $0x0;
	[tilespmem:s6+$0x0] =	vst v17;
	v17 =	vld.idx.msk [tilespmem:v58+s17+$0x0], $0xffff  }
0x1d6: {  	s8 =	sshll.u32 s8, $0x6;
	[tilespmem:s3+$0x180] =	vst v21;
	v16 =	vld.idx.msk [tilespmem:v59+s17+$0x0], $0xffff  }
0x1d7: {  	s2 =	sor.u32 s2, s12;
	s0 =	sadd.s32 s8, s0;
	[tilespmem:s7+$0x180] =	vst v19;
	v10 =	vld.idx.msk [tilespmem:v60+s17+$0x0], $0xffff  }
0x1d8: {  	s20 =	sor.u32 $0x200, s0;
	s22 =	sadd.s32 $0x30, s0;
	v63 =	vld.idx.msk [tilespmem:v61+s17+$0x0], $0xffff;
	[tilespmem:s2+$0x0] =	vst v62  }
0x1d9: {  	s28 =	sadd.s32 $0x10, s0;
	s24 =	sor.u32 $0x200, s22;
	[tilespmem:s20+$0xC800] =	vst v13  }
0x1da: {  	s30 =	sor.u32 $0x200, s28;
	[tilespmem:s24+$0xC800] =	vst v11  }
0x1db: {  	s31 =	sor.u32 $0x280, s28;
	[tilespmem:s30+$0xC800] =	vst v4  }
0x1dc: {  	s9 =	sor.u32 $0x280, s22;
	[tilespmem:s31+$0xC800] =	vst v8  }
0x1dd: {  	s10 =	sor.u32 $0x280, s0;
	[tilespmem:s9+$0xC800] =	vst v3  }
0x1de: {  	s8 =	sor.u32 $0x300, s28;
	[tilespmem:s10+$0xC800] =	vst v9  }
0x1df: {  	s14 =	sor.u32 $0x300, s22;
	[tilespmem:s8+$0xC800] =	vst v5  }
0x1e0: {  	s15 =	sor.u32 $0x300, s0;
	[tilespmem:s14+$0xC800] =	vst v2  }
0x1e1: {  	s3 =	sor.u32 $0x380, s28;
	[tilespmem:s15+$0xC800] =	vst v7  }
0x1e2: {  	s16 =	sor.u32 $0x380, s22;
	[tilespmem:s3+$0xC800] =	vst v6  }
0x1e3: {  	s11 =	sadd.s32 $0x20, s0;
	s0 =	sor.u32 $0x380, s0;
	[tilespmem:s16+$0xC800] =	vst v0  }
0x1e4: {  	[tilespmem:s0+$0xC800] =	vst v1  }
0x1e5: {  	[tilespmem:s2+$0x80] =	vst v17  }
0x1e6: {  	[tilespmem:s2+$0x100] =	vst v16  }
0x1e7: {  	s12 =	sor.u32 $0x200, s11;
	[tilespmem:s2+$0x180] =	vst v63  }
0x1e8: {  	s20 =	sor.u32 $0x280, s11;
	[tilespmem:s12+$0xC800] =	vst v10  }
0x1e9: {  	s22 =	sor.u32 $0x300, s11;
	[tilespmem:s20+$0xC800] =	vst v14  }
0x1ea: {  	s24 =	sor.u32 $0x380, s11;
	[tilespmem:s22+$0xC800] =	vst v15  }
0x1eb: {  	[tilespmem:s24+$0xC800] =	vst v20  }
0x1ec: {  	s28 =	simm.s32 $0xC800;
	s0 =	rddreg [dreg:$0xc]  }
0x1ed: {  	[hbm4b:s0+s5] =	stream.linear.scatter [tilespmem:s28], [sflag:$0x4], $0x4000, $0x38;
	[tilespmem:$0x18800] =	vst v63  }
0x1ee: {  	_ =	swait.ge [sflag:s29], $0x4000  }
0x1ef: {  	[sflag:s29] =	ssyncset.done $0x0  }
0x1f0: {  	[sflag:s29] =	ssyncadd.s32 $0xFFFFC000;
	s29 =	simm.s32 $0x5  }
0x1f1: {  	_ =	swait.ge [sflag:s29], $0x4000  }
0x1f2: {  	[sflag:s29] =	ssyncset.done $0x0  }
0x1f3: {  	[sflag:s29] =	ssyncadd.s32 $0xFFFFC000  }
0x1f4: {  	_ =	swait.ge [sflag:s26], $0x4000  }
0x1f5: {  	s30 =	rddreg [dreg:$0xe]  }
0x1f6: {  	s31 =	rddreg [dreg:$0xd];
	s2 =	sadd.s32 $0x1, s30  }
0x1f7: {  	p0 =	sne.s32 s2, s31  }
.Ltmp9:
0x1f8: {  	_ = 	snop;
	(pc) =	sbr.rel @p0 .LBB2_1-.Ltmp9, $3  }
0x1f9: {  	_ =	sdelay $0x1  }
0x1fa: {  	[sflag:s26] =	ssyncset.done $0x0  }
0x1fb: {  	[sflag:s26] =	ssyncadd.s32 $0xFFFFC000  }
0x1fc: {  	_ =	sfence.sel $0x180000  }
0x1fd: {  	[bflag:$0x0] =	sbarrier.arrive $0xFFFF  }
0x1fe: {  	_ =	strace $0x90000047  }
0x1ff: {  	s0 =	stileid.u32;
	[bflag:$0x2] =	sbarrier.arrive $0xFFFF  }
0x200: {  	p0 =	sne.s32 s0, $0x0;
	s0 =	rddreg [dreg:$0x3]  }
0x201: {  	s0 =	sadd.s32 @!p0 $0x100000, s0  }
0x202: {  	[sflag:s0] =	ssyncadd.tile.s32 @!p0 $0x1;
	_ =	shalt  }
.Lfunc_end2:
_tile_overlayer_lowered:
.L_overlay_start_2:
0x203: {  	(tag) =	ssettag $0x2  }
0x204: {  	s0 =	rddreg [dreg:$0x0];
	s2 =	stileid.u32  }
0x205: {  	s1 =	rddreg [dreg:$0x1];
	p0 =	sne.s32 s2, $0x0  }
0x206: {  	s3 =	rddreg [dreg:$0x2];
	[bflag:$0x3] =	sbarrier.arrive $0xFFFF;
	s2 =	simm.s32 @!p0 $0x1C07  }
0x207: {  	[timem:s3], [sflag:s2] =	dma.local @!p0 [hbm:s0], s1  }
0x208: {  	s0 =	simm.s32 @!p0 $0x7  }
0x209: {  	_ =	swait.ge @!p0 [sflag:s0], s1  }
0x20a: {  	s1 =	ssub.s32 @!p0 $0x0, s1;
	[sflag:s0] =	ssyncset.done @!p0 $0x0  }
0x20b: {  	[sflag:s0] =	ssyncadd.s32 @!p0 s1  }
0x20c: {  	[bflag:$0x3] =	sbarrier.arrive $0xFFFF  }
0x20d: {  	_ =	shalt  }

</sc_bundles>
